<compile_context>
chip_gen: v7x
topology: tpu7x:2x2x1
jax: 0.10.2.dev20260603
libtpu: 0.0.44.dev20260713+nightly
codegen_flags: <defaults>
</compile_context>

<pallas_src>
import functools

import jax
import jax.numpy as jnp
from jax import lax
from jax.experimental import pallas as pl
from jax.experimental.pallas import tpu as pltpu
from jax.experimental.pallas import tpu_sc as plsc

_INFO = plsc.get_sparse_core_info()
_NC = _INFO.num_cores
_NS = _INFO.num_subcores
_NW = _NC * _NS


@functools.cache
def _make_gather(n_rows: int, d: int, chunk: int, nbuf: int, lead: int):
    b_per_w = n_rows // _NW
    n_chunks = b_per_w // chunk
    assert n_rows % _NW == 0 and b_per_w % chunk == 0
    assert 0 < lead < nbuf <= n_chunks
    mesh = plsc.VectorSubcoreMesh(core_axis_name="c", subcore_axis_name="s")

    @functools.partial(
        pl.kernel,
        mesh=mesh,
        out_type=jax.ShapeDtypeStruct((n_rows, d), jnp.float32),
        scratch_types=[
            pltpu.VMEM((b_per_w,), jnp.int32),
            pltpu.VMEM((nbuf, chunk, d), jnp.float32),
        ]
        + [pltpu.SemaphoreType.DMA] * (2 * nbuf),
    )
    def gather_kernel(table_hbm, idx_hbm, out_hbm, idx_v, rows_v, *sems):
        gsems = sems[:nbuf]
        osems = sems[nbuf:]
        wid = lax.axis_index("s") * _NC + lax.axis_index("c")
        base = wid * b_per_w
        pltpu.sync_copy(idx_hbm.at[pl.ds(base, b_per_w)], idx_v)

        def start_gather(c, b):
            pltpu.async_copy(
                table_hbm.at[idx_v.at[pl.ds(c * chunk, chunk)]],
                rows_v.at[b], gsems[b])

        def wait_gather(b):
            pltpu.make_async_copy(
                table_hbm.at[pl.ds(0, chunk)], rows_v.at[b], gsems[b]).wait()

        def start_write(c, b):
            pltpu.async_copy(
                rows_v.at[b], out_hbm.at[pl.ds(base + c * chunk, chunk)],
                osems[b])

        def wait_write(b):
            pltpu.make_async_copy(
                rows_v.at[b], out_hbm.at[pl.ds(base, chunk)], osems[b]).wait()

        for c in range(lead):
            start_gather(c, c % nbuf)

        def body(g, carry):
            for b0 in range(nbuf):
                c = g * nbuf + b0

                @pl.when(c < n_chunks)
                def _():
                    wait_gather(b0)
                    start_write(c, b0)

                    cg = c + lead
                    bg = (b0 + lead) % nbuf
                    cw = cg - nbuf

                    @pl.when(cw >= 0)
                    def _():
                        wait_write(bg)

                    @pl.when(cg < n_chunks)
                    def _():
                        start_gather(cg, bg)

            return carry

        lax.fori_loop(0, -(-n_chunks // nbuf), body, 0)

        for c in range(n_chunks - (nbuf - lead), n_chunks):
            wait_write(c % nbuf)

    return gather_kernel


def kernel(input_ids, embed):
    b, s = input_ids.shape
    v, d = embed.shape
    ids_flat = input_ids.reshape(b * s)
    out = _make_gather(b * s, d, 8, 7, 4)(embed, ids_flat)
    return out.reshape(b, s, d)

# --- scband reference (transcript-rebuilt; emitter-appended) ---
"""Pipeline reference for scband-first-stage-10651518894599 (READ-ONLY COPY).

The authoritative reference and input builder live on the scoring server;
editing this copy changes nothing except your own understanding.
"""

import jax, jax.numpy as jnp
import numpy as np

VOCAB = 128256
D_MODEL = 2048
BATCH = 4
SEQ = 4096


def setup_inputs(seed: int = 0) -> dict:
    key = jax.random.key(seed)
    k_ids, k_emb = jax.random.split(key)
    input_ids = jax.random.randint(k_ids, (BATCH, SEQ), 0, VOCAB, dtype=jnp.int32)
    # Learned embedding table (nn.Embedding(cfg.vocab_size, cfg.hidden_size))
    embed = jax.random.normal(k_emb, (VOCAB, D_MODEL), dtype=jnp.float32) * 0.02
    return {"input_ids": input_ids, "embed": embed}


def reference(input_ids, embed):
    # FirstStage.forward: x = self.embed(input_ids); return x
    # (self.layers are constructed but never applied in forward)
    return jnp.take(embed, input_ids, axis=0)

if __name__ == "__main__":
    import jax
    _d = setup_inputs()
    print(jax.jit(kernel)(*tuple(_d.values())))

</pallas_src>

<mosaic_0001>
#map = affine_map<(d0, d1) -> (0, 0)>
#map1 = affine_map<(d0, d1) -> (0)>
module attributes {stable_mosaic.version = 14 : i64} {
  func.func @gather_kernel(%arg0: i32, %arg1: i32, %arg2: memref<128256x2048xf32, #tpu.memory_space<hbm>>, %arg3: memref<16384xi32, #tpu.memory_space<hbm>>, %arg4: memref<16384x2048xf32, #tpu.memory_space<hbm>>, %arg5: memref<512xi32, #tpu.memory_space<vmem>>, %arg6: memref<7x8x2048xf32, #tpu.memory_space<vmem>>, %arg7: memref<!tpu.dma_semaphore, #tpu.memory_space<semaphore_mem>>, %arg8: memref<!tpu.dma_semaphore, #tpu.memory_space<semaphore_mem>>, %arg9: memref<!tpu.dma_semaphore, #tpu.memory_space<semaphore_mem>>, %arg10: memref<!tpu.dma_semaphore, #tpu.memory_space<semaphore_mem>>, %arg11: memref<!tpu.dma_semaphore, #tpu.memory_space<semaphore_mem>>, %arg12: memref<!tpu.dma_semaphore, #tpu.memory_space<semaphore_mem>>, %arg13: memref<!tpu.dma_semaphore, #tpu.memory_space<semaphore_mem>>, %arg14: memref<!tpu.dma_semaphore, #tpu.memory_space<semaphore_mem>>, %arg15: memref<!tpu.dma_semaphore, #tpu.memory_space<semaphore_mem>>, %arg16: memref<!tpu.dma_semaphore, #tpu.memory_space<semaphore_mem>>, %arg17: memref<!tpu.dma_semaphore, #tpu.memory_space<semaphore_mem>>, %arg18: memref<!tpu.dma_semaphore, #tpu.memory_space<semaphore_mem>>, %arg19: memref<!tpu.dma_semaphore, #tpu.memory_space<semaphore_mem>>, %arg20: memref<!tpu.dma_semaphore, #tpu.memory_space<semaphore_mem>>) attributes {dimension_semantics = [#tpu.dimension_semantics<core_parallel>, #tpu.dimension_semantics<subcore_parallel>], iteration_bounds = array<i64: 2, 16>, scalar_prefetch = 0 : i64, scratch_operands = 16 : i64, tpu.core_type = #tpu.core_type<sc_vector_subcore>, window_params = [{transform_indices = #map}, {transform_indices = #map1}, {transform_indices = #map}]} {
    %mul3A = arith.constant 2 : i32
    %mul3A_0 = arith.muli %arg1, %mul3A : i32
    %add3A = arith.addi %mul3A_0, %arg0 : i32
    %mul3A_1 = arith.constant 512 : i32
    %mul3A_2 = arith.muli %add3A, %mul3A_1 : i32
    "tpu.region"() ({
      %run_scoped3A = tpu.sem_alloc : memref<!tpu.dma_semaphore, #tpu.memory_space<semaphore_mem>>
      %dma_start3A_85 = tpu.memref_slice %arg3[%mul3A_2] : memref<16384xi32, #tpu.memory_space<hbm>> -> memref<512xi32, #tpu.memory_space<hbm>>
      %dma_start3A_86 = tpu.memref_slice %arg3[%mul3A_2] : memref<16384xi32, #tpu.memory_space<hbm>> -> memref<512xi32, #tpu.memory_space<hbm>>
      tpu.enqueue_dma source(%dma_start3A_86 : memref<512xi32, #tpu.memory_space<hbm>>) target(%arg5 : memref<512xi32, #tpu.memory_space<vmem>>) target_semaphore(%run_scoped3A : memref<!tpu.dma_semaphore, #tpu.memory_space<semaphore_mem>>)
      %dma_wait3A_87 = tpu.memref_slice %arg3[%mul3A_2] : memref<16384xi32, #tpu.memory_space<hbm>> -> memref<512xi32, #tpu.memory_space<hbm>>
      %dma_wait3A_88 = tpu.memref_slice %arg3[%mul3A_2] : memref<16384xi32, #tpu.memory_space<hbm>> -> memref<512xi32, #tpu.memory_space<hbm>>
      tpu.wait_dma2 semaphore(%run_scoped3A : memref<!tpu.dma_semaphore, #tpu.memory_space<semaphore_mem>>) src(%dma_wait3A_88 : memref<512xi32, #tpu.memory_space<hbm>>) dst(%arg5 : memref<512xi32, #tpu.memory_space<vmem>>)
      tpu.yield
    }) : () -> ()
    %dma_start3A = arith.constant 0 : i32
    %dma_start3A_3 = arith.constant 0 : i32
    %dma_start3A_4 = arith.constant 0 : i32
    %dma_start3A_5 = tpu.memref_slice %arg6[%dma_start3A, %dma_start3A_3, %dma_start3A_4] : memref<7x8x2048xf32, #tpu.memory_space<vmem>> -> memref<1x8x2048xf32, #tpu.memory_space<vmem>>
    %dma_start3A_6 = tpu.memref_squeeze %dma_start3A_5 : memref<1x8x2048xf32, #tpu.memory_space<vmem>> -> memref<8x2048xf32, #tpu.memory_space<vmem>>
    %dma_start3A_7 = arith.constant 0 : i32
    %dma_start3A_8 = tpu.memref_slice %arg5[%dma_start3A_7] : memref<512xi32, #tpu.memory_space<vmem>> -> memref<8xi32, #tpu.memory_space<vmem>>
    %dma_start3A_9 = arith.constant 0 : i32
    %dma_start3A_10 = arith.constant 0 : i32
    %dma_start3A_11 = tpu.memref_slice %arg2[%dma_start3A_9, %dma_start3A_10] : memref<128256x2048xf32, #tpu.memory_space<hbm>> -> memref<128256x2048xf32, #tpu.memory_space<hbm>>
    tpu.enqueue_indirect_dma source(%dma_start3A_11 : memref<128256x2048xf32, #tpu.memory_space<hbm>>) target(%dma_start3A_6 : memref<8x2048xf32, #tpu.memory_space<vmem>>) offsets(%dma_start3A_8 : memref<8xi32, #tpu.memory_space<vmem>>) semaphore(%arg7 : memref<!tpu.dma_semaphore, #tpu.memory_space<semaphore_mem>>)
    %dma_start3A_12 = arith.constant 1 : i32
    %dma_start3A_13 = arith.constant 0 : i32
    %dma_start3A_14 = arith.constant 0 : i32
    %dma_start3A_15 = tpu.memref_slice %arg6[%dma_start3A_12, %dma_start3A_13, %dma_start3A_14] : memref<7x8x2048xf32, #tpu.memory_space<vmem>> -> memref<1x8x2048xf32, #tpu.memory_space<vmem>>
    %dma_start3A_16 = tpu.memref_squeeze %dma_start3A_15 : memref<1x8x2048xf32, #tpu.memory_space<vmem>> -> memref<8x2048xf32, #tpu.memory_space<vmem>>
    %dma_start3A_17 = arith.constant 8 : i32
    %dma_start3A_18 = tpu.memref_slice %arg5[%dma_start3A_17] : memref<512xi32, #tpu.memory_space<vmem>> -> memref<8xi32, #tpu.memory_space<vmem>>
    %dma_start3A_19 = arith.constant 0 : i32
    %dma_start3A_20 = arith.constant 0 : i32
    %dma_start3A_21 = tpu.memref_slice %arg2[%dma_start3A_19, %dma_start3A_20] : memref<128256x2048xf32, #tpu.memory_space<hbm>> -> memref<128256x2048xf32, #tpu.memory_space<hbm>>
    tpu.enqueue_indirect_dma source(%dma_start3A_21 : memref<128256x2048xf32, #tpu.memory_space<hbm>>) target(%dma_start3A_16 : memref<8x2048xf32, #tpu.memory_space<vmem>>) offsets(%dma_start3A_18 : memref<8xi32, #tpu.memory_space<vmem>>) semaphore(%arg8 : memref<!tpu.dma_semaphore, #tpu.memory_space<semaphore_mem>>)
    %dma_start3A_22 = arith.constant 2 : i32
    %dma_start3A_23 = arith.constant 0 : i32
    %dma_start3A_24 = arith.constant 0 : i32
    %dma_start3A_25 = tpu.memref_slice %arg6[%dma_start3A_22, %dma_start3A_23, %dma_start3A_24] : memref<7x8x2048xf32, #tpu.memory_space<vmem>> -> memref<1x8x2048xf32, #tpu.memory_space<vmem>>
    %dma_start3A_26 = tpu.memref_squeeze %dma_start3A_25 : memref<1x8x2048xf32, #tpu.memory_space<vmem>> -> memref<8x2048xf32, #tpu.memory_space<vmem>>
    %dma_start3A_27 = arith.constant 16 : i32
    %dma_start3A_28 = tpu.memref_slice %arg5[%dma_start3A_27] : memref<512xi32, #tpu.memory_space<vmem>> -> memref<8xi32, #tpu.memory_space<vmem>>
    %dma_start3A_29 = arith.constant 0 : i32
    %dma_start3A_30 = arith.constant 0 : i32
    %dma_start3A_31 = tpu.memref_slice %arg2[%dma_start3A_29, %dma_start3A_30] : memref<128256x2048xf32, #tpu.memory_space<hbm>> -> memref<128256x2048xf32, #tpu.memory_space<hbm>>
    tpu.enqueue_indirect_dma source(%dma_start3A_31 : memref<128256x2048xf32, #tpu.memory_space<hbm>>) target(%dma_start3A_26 : memref<8x2048xf32, #tpu.memory_space<vmem>>) offsets(%dma_start3A_28 : memref<8xi32, #tpu.memory_space<vmem>>) semaphore(%arg9 : memref<!tpu.dma_semaphore, #tpu.memory_space<semaphore_mem>>)
    %dma_start3A_32 = arith.constant 3 : i32
    %dma_start3A_33 = arith.constant 0 : i32
    %dma_start3A_34 = arith.constant 0 : i32
    %dma_start3A_35 = tpu.memref_slice %arg6[%dma_start3A_32, %dma_start3A_33, %dma_start3A_34] : memref<7x8x2048xf32, #tpu.memory_space<vmem>> -> memref<1x8x2048xf32, #tpu.memory_space<vmem>>
    %dma_start3A_36 = tpu.memref_squeeze %dma_start3A_35 : memref<1x8x2048xf32, #tpu.memory_space<vmem>> -> memref<8x2048xf32, #tpu.memory_space<vmem>>
    %dma_start3A_37 = arith.constant 24 : i32
    %dma_start3A_38 = tpu.memref_slice %arg5[%dma_start3A_37] : memref<512xi32, #tpu.memory_space<vmem>> -> memref<8xi32, #tpu.memory_space<vmem>>
    %dma_start3A_39 = arith.constant 0 : i32
    %dma_start3A_40 = arith.constant 0 : i32
    %dma_start3A_41 = tpu.memref_slice %arg2[%dma_start3A_39, %dma_start3A_40] : memref<128256x2048xf32, #tpu.memory_space<hbm>> -> memref<128256x2048xf32, #tpu.memory_space<hbm>>
    tpu.enqueue_indirect_dma source(%dma_start3A_41 : memref<128256x2048xf32, #tpu.memory_space<hbm>>) target(%dma_start3A_36 : memref<8x2048xf32, #tpu.memory_space<vmem>>) offsets(%dma_start3A_38 : memref<8xi32, #tpu.memory_space<vmem>>) semaphore(%arg10 : memref<!tpu.dma_semaphore, #tpu.memory_space<semaphore_mem>>)
    %scan3A = arith.constant 0 : i32
    %scan3A_42 = arith.constant 0 : i32
    %scan3A_43 = arith.constant 10 : i32
    %scan3A_44 = arith.addi %scan3A_42, %scan3A_43 : i32
    %scan3A_45 = arith.constant 1 : i32
    scf.for %scan3A_85 = %scan3A_42 to %scan3A_44 step %scan3A_45  : i32 {
      %mul3A_86 = arith.constant 7 : i32
      %mul3A_87 = arith.muli %scan3A_85, %mul3A_86 : i32
      %add3A_88 = arith.constant 0 : i32
      %add3A_89 = arith.addi %mul3A_87, %add3A_88 : i32
      %lt3A = arith.constant 64 : i32
      %lt3A_90 = arith.cmpi slt, %add3A_89, %lt3A : i32
      %convert_element_type3A = arith.extui %lt3A_90 : i1 to i32
      %cond3A = arith.constant 0 : i32
      %cond3A_91 = arith.cmpi ne, %convert_element_type3A, %cond3A : i32
      scf.if %cond3A_91 {
        %dma_wait3A_146 = arith.constant 0 : i32
        %dma_wait3A_147 = arith.constant 0 : i32
        %dma_wait3A_148 = arith.constant 0 : i32
        %dma_wait3A_149 = tpu.memref_slice %arg6[%dma_wait3A_146, %dma_wait3A_147, %dma_wait3A_148] : memref<7x8x2048xf32, #tpu.memory_space<vmem>> -> memref<1x8x2048xf32, #tpu.memory_space<vmem>>
        %dma_wait3A_150 = tpu.memref_squeeze %dma_wait3A_149 : memref<1x8x2048xf32, #tpu.memory_space<vmem>> -> memref<8x2048xf32, #tpu.memory_space<vmem>>
        %dma_wait3A_151 = arith.constant 0 : i32
        %dma_wait3A_152 = arith.constant 0 : i32
        %dma_wait3A_153 = tpu.memref_slice %arg2[%dma_wait3A_151, %dma_wait3A_152] : memref<128256x2048xf32, #tpu.memory_space<hbm>> -> memref<8x2048xf32, #tpu.memory_space<hbm>>
        %dma_wait3A_154 = arith.constant 0 : i32
        %dma_wait3A_155 = arith.constant 0 : i32
        %dma_wait3A_156 = tpu.memref_slice %arg6[%dma_wait3A_146, %dma_wait3A_154, %dma_wait3A_155] : memref<7x8x2048xf32, #tpu.memory_space<vmem>> -> memref<1x8x2048xf32, #tpu.memory_space<vmem>>
        %dma_wait3A_157 = tpu.memref_squeeze %dma_wait3A_156 : memref<1x8x2048xf32, #tpu.memory_space<vmem>> -> memref<8x2048xf32, #tpu.memory_space<vmem>>
        %dma_wait3A_158 = arith.constant 0 : i32
        %dma_wait3A_159 = arith.constant 0 : i32
        %dma_wait3A_160 = tpu.memref_slice %arg2[%dma_wait3A_158, %dma_wait3A_159] : memref<128256x2048xf32, #tpu.memory_space<hbm>> -> memref<8x2048xf32, #tpu.memory_space<hbm>>
        tpu.wait_dma2 semaphore(%arg7 : memref<!tpu.dma_semaphore, #tpu.memory_space<semaphore_mem>>) src(%dma_wait3A_160 : memref<8x2048xf32, #tpu.memory_space<hbm>>) dst(%dma_wait3A_157 : memref<8x2048xf32, #tpu.memory_space<vmem>>)
        %mul3A_161 = arith.constant 8 : i32
        %mul3A_162 = arith.muli %add3A_89, %mul3A_161 : i32
        %add3A_163 = arith.addi %mul3A_2, %mul3A_162 : i32
        %dma_start3A_164 = arith.constant 0 : i32
        %dma_start3A_165 = arith.constant 0 : i32
        %dma_start3A_166 = arith.constant 0 : i32
        %dma_start3A_167 = tpu.memref_slice %arg6[%dma_start3A_164, %dma_start3A_165, %dma_start3A_166] : memref<7x8x2048xf32, #tpu.memory_space<vmem>> -> memref<1x8x2048xf32, #tpu.memory_space<vmem>>
        %dma_start3A_168 = tpu.memref_squeeze %dma_start3A_167 : memref<1x8x2048xf32, #tpu.memory_space<vmem>> -> memref<8x2048xf32, #tpu.memory_space<vmem>>
        %dma_start3A_169 = arith.constant 0 : i32
        %dma_start3A_170 = tpu.memref_slice %arg4[%add3A_163, %dma_start3A_169] : memref<16384x2048xf32, #tpu.memory_space<hbm>> -> memref<8x2048xf32, #tpu.memory_space<hbm>>
        %dma_start3A_171 = arith.constant 0 : i32
        %dma_start3A_172 = tpu.memref_slice %arg4[%add3A_163, %dma_start3A_171] : memref<16384x2048xf32, #tpu.memory_space<hbm>> -> memref<8x2048xf32, #tpu.memory_space<hbm>>
        %dma_start3A_173 = arith.constant 0 : i32
        %dma_start3A_174 = arith.constant 0 : i32
        %dma_start3A_175 = tpu.memref_slice %arg6[%dma_start3A_164, %dma_start3A_173, %dma_start3A_174] : memref<7x8x2048xf32, #tpu.memory_space<vmem>> -> memref<1x8x2048xf32, #tpu.memory_space<vmem>>
        %dma_start3A_176 = tpu.memref_squeeze %dma_start3A_175 : memref<1x8x2048xf32, #tpu.memory_space<vmem>> -> memref<8x2048xf32, #tpu.memory_space<vmem>>
        tpu.enqueue_dma source(%dma_start3A_176 : memref<8x2048xf32, #tpu.memory_space<vmem>>) target(%dma_start3A_172 : memref<8x2048xf32, #tpu.memory_space<hbm>>) target_semaphore(%arg14 : memref<!tpu.dma_semaphore, #tpu.memory_space<semaphore_mem>>)
        %add3A_177 = arith.constant 4 : i32
        %add3A_178 = arith.addi %add3A_89, %add3A_177 : i32
        %sub3A = arith.constant 7 : i32
        %sub3A_179 = arith.subi %add3A_178, %sub3A : i32
        %ge3A = arith.constant 0 : i32
        %ge3A_180 = arith.cmpi sge, %sub3A_179, %ge3A : i32
        %convert_element_type3A_181 = arith.extui %ge3A_180 : i1 to i32
        %cond3A_182 = arith.constant 0 : i32
        %cond3A_183 = arith.cmpi ne, %convert_element_type3A_181, %cond3A_182 : i32
        scf.if %cond3A_183 {
          %dma_wait3A_189 = arith.constant 4 : i32
          %dma_wait3A_190 = arith.constant 0 : i32
          %dma_wait3A_191 = arith.constant 0 : i32
          %dma_wait3A_192 = tpu.memref_slice %arg6[%dma_wait3A_189, %dma_wait3A_190, %dma_wait3A_191] : memref<7x8x2048xf32, #tpu.memory_space<vmem>> -> memref<1x8x2048xf32, #tpu.memory_space<vmem>>
          %dma_wait3A_193 = tpu.memref_squeeze %dma_wait3A_192 : memref<1x8x2048xf32, #tpu.memory_space<vmem>> -> memref<8x2048xf32, #tpu.memory_space<vmem>>
          %dma_wait3A_194 = arith.constant 0 : i32
          %dma_wait3A_195 = tpu.memref_slice %arg4[%mul3A_2, %dma_wait3A_194] : memref<16384x2048xf32, #tpu.memory_space<hbm>> -> memref<8x2048xf32, #tpu.memory_space<hbm>>
          %dma_wait3A_196 = arith.constant 0 : i32
          %dma_wait3A_197 = tpu.memref_slice %arg4[%mul3A_2, %dma_wait3A_196] : memref<16384x2048xf32, #tpu.memory_space<hbm>> -> memref<8x2048xf32, #tpu.memory_space<hbm>>
          %dma_wait3A_198 = arith.constant 0 : i32
          %dma_wait3A_199 = arith.constant 0 : i32
          %dma_wait3A_200 = tpu.memref_slice %arg6[%dma_wait3A_189, %dma_wait3A_198, %dma_wait3A_199] : memref<7x8x2048xf32, #tpu.memory_space<vmem>> -> memref<1x8x2048xf32, #tpu.memory_space<vmem>>
          %dma_wait3A_201 = tpu.memref_squeeze %dma_wait3A_200 : memref<1x8x2048xf32, #tpu.memory_space<vmem>> -> memref<8x2048xf32, #tpu.memory_space<vmem>>
          tpu.wait_dma2 semaphore(%arg18 : memref<!tpu.dma_semaphore, #tpu.memory_space<semaphore_mem>>) src(%dma_wait3A_201 : memref<8x2048xf32, #tpu.memory_space<vmem>>) dst(%dma_wait3A_197 : memref<8x2048xf32, #tpu.memory_space<hbm>>)
        } else {
        }
        %lt3A_184 = arith.constant 64 : i32
        %lt3A_185 = arith.cmpi slt, %add3A_178, %lt3A_184 : i32
        %convert_element_type3A_186 = arith.extui %lt3A_185 : i1 to i32
        %cond3A_187 = arith.constant 0 : i32
        %cond3A_188 = arith.cmpi ne, %convert_element_type3A_186, %cond3A_187 : i32
        scf.if %cond3A_188 {
          %mul3A_189 = arith.constant 8 : i32
          %mul3A_190 = arith.muli %add3A_178, %mul3A_189 : i32
          %dma_start3A_191 = arith.constant 4 : i32
          %dma_start3A_192 = arith.constant 0 : i32
          %dma_start3A_193 = arith.constant 0 : i32
          %dma_start3A_194 = tpu.memref_slice %arg6[%dma_start3A_191, %dma_start3A_192, %dma_start3A_193] : memref<7x8x2048xf32, #tpu.memory_space<vmem>> -> memref<1x8x2048xf32, #tpu.memory_space<vmem>>
          %dma_start3A_195 = tpu.memref_squeeze %dma_start3A_194 : memref<1x8x2048xf32, #tpu.memory_space<vmem>> -> memref<8x2048xf32, #tpu.memory_space<vmem>>
          %dma_start3A_196 = tpu.memref_slice %arg5[%mul3A_190] : memref<512xi32, #tpu.memory_space<vmem>> -> memref<8xi32, #tpu.memory_space<vmem>>
          %dma_start3A_197 = arith.constant 0 : i32
          %dma_start3A_198 = arith.constant 0 : i32
          %dma_start3A_199 = tpu.memref_slice %arg2[%dma_start3A_197, %dma_start3A_198] : memref<128256x2048xf32, #tpu.memory_space<hbm>> -> memref<128256x2048xf32, #tpu.memory_space<hbm>>
          tpu.enqueue_indirect_dma source(%dma_start3A_199 : memref<128256x2048xf32, #tpu.memory_space<hbm>>) target(%dma_start3A_195 : memref<8x2048xf32, #tpu.memory_space<vmem>>) offsets(%dma_start3A_196 : memref<8xi32, #tpu.memory_space<vmem>>) semaphore(%arg11 : memref<!tpu.dma_semaphore, #tpu.memory_space<semaphore_mem>>)
        } else {
        }
      } else {
      }
      %mul3A_92 = arith.constant 7 : i32
      %mul3A_93 = arith.muli %scan3A_85, %mul3A_92 : i32
      %add3A_94 = arith.constant 1 : i32
      %add3A_95 = arith.addi %mul3A_93, %add3A_94 : i32
      %lt3A_96 = arith.constant 64 : i32
      %lt3A_97 = arith.cmpi slt, %add3A_95, %lt3A_96 : i32
      %convert_element_type3A_98 = arith.extui %lt3A_97 : i1 to i32
      %cond3A_99 = arith.constant 0 : i32
      %cond3A_100 = arith.cmpi ne, %convert_element_type3A_98, %cond3A_99 : i32
      scf.if %cond3A_100 {
        %dma_wait3A_146 = arith.constant 1 : i32
        %dma_wait3A_147 = arith.constant 0 : i32
        %dma_wait3A_148 = arith.constant 0 : i32
        %dma_wait3A_149 = tpu.memref_slice %arg6[%dma_wait3A_146, %dma_wait3A_147, %dma_wait3A_148] : memref<7x8x2048xf32, #tpu.memory_space<vmem>> -> memref<1x8x2048xf32, #tpu.memory_space<vmem>>
        %dma_wait3A_150 = tpu.memref_squeeze %dma_wait3A_149 : memref<1x8x2048xf32, #tpu.memory_space<vmem>> -> memref<8x2048xf32, #tpu.memory_space<vmem>>
        %dma_wait3A_151 = arith.constant 0 : i32
        %dma_wait3A_152 = arith.constant 0 : i32
        %dma_wait3A_153 = tpu.memref_slice %arg2[%dma_wait3A_151, %dma_wait3A_152] : memref<128256x2048xf32, #tpu.memory_space<hbm>> -> memref<8x2048xf32, #tpu.memory_space<hbm>>
        %dma_wait3A_154 = arith.constant 0 : i32
        %dma_wait3A_155 = arith.constant 0 : i32
        %dma_wait3A_156 = tpu.memref_slice %arg6[%dma_wait3A_146, %dma_wait3A_154, %dma_wait3A_155] : memref<7x8x2048xf32, #tpu.memory_space<vmem>> -> memref<1x8x2048xf32, #tpu.memory_space<vmem>>
        %dma_wait3A_157 = tpu.memref_squeeze %dma_wait3A_156 : memref<1x8x2048xf32, #tpu.memory_space<vmem>> -> memref<8x2048xf32, #tpu.memory_space<vmem>>
        %dma_wait3A_158 = arith.constant 0 : i32
        %dma_wait3A_159 = arith.constant 0 : i32
        %dma_wait3A_160 = tpu.memref_slice %arg2[%dma_wait3A_158, %dma_wait3A_159] : memref<128256x2048xf32, #tpu.memory_space<hbm>> -> memref<8x2048xf32, #tpu.memory_space<hbm>>
        tpu.wait_dma2 semaphore(%arg8 : memref<!tpu.dma_semaphore, #tpu.memory_space<semaphore_mem>>) src(%dma_wait3A_160 : memref<8x2048xf32, #tpu.memory_space<hbm>>) dst(%dma_wait3A_157 : memref<8x2048xf32, #tpu.memory_space<vmem>>)
        %mul3A_161 = arith.constant 8 : i32
        %mul3A_162 = arith.muli %add3A_95, %mul3A_161 : i32
        %add3A_163 = arith.addi %mul3A_2, %mul3A_162 : i32
        %dma_start3A_164 = arith.constant 1 : i32
        %dma_start3A_165 = arith.constant 0 : i32
        %dma_start3A_166 = arith.constant 0 : i32
        %dma_start3A_167 = tpu.memref_slice %arg6[%dma_start3A_164, %dma_start3A_165, %dma_start3A_166] : memref<7x8x2048xf32, #tpu.memory_space<vmem>> -> memref<1x8x2048xf32, #tpu.memory_space<vmem>>
        %dma_start3A_168 = tpu.memref_squeeze %dma_start3A_167 : memref<1x8x2048xf32, #tpu.memory_space<vmem>> -> memref<8x2048xf32, #tpu.memory_space<vmem>>
        %dma_start3A_169 = arith.constant 0 : i32
        %dma_start3A_170 = tpu.memref_slice %arg4[%add3A_163, %dma_start3A_169] : memref<16384x2048xf32, #tpu.memory_space<hbm>> -> memref<8x2048xf32, #tpu.memory_space<hbm>>
        %dma_start3A_171 = arith.constant 0 : i32
        %dma_start3A_172 = tpu.memref_slice %arg4[%add3A_163, %dma_start3A_171] : memref<16384x2048xf32, #tpu.memory_space<hbm>> -> memref<8x2048xf32, #tpu.memory_space<hbm>>
        %dma_start3A_173 = arith.constant 0 : i32
        %dma_start3A_174 = arith.constant 0 : i32
        %dma_start3A_175 = tpu.memref_slice %arg6[%dma_start3A_164, %dma_start3A_173, %dma_start3A_174] : memref<7x8x2048xf32, #tpu.memory_space<vmem>> -> memref<1x8x2048xf32, #tpu.memory_space<vmem>>
        %dma_start3A_176 = tpu.memref_squeeze %dma_start3A_175 : memref<1x8x2048xf32, #tpu.memory_space<vmem>> -> memref<8x2048xf32, #tpu.memory_space<vmem>>
        tpu.enqueue_dma source(%dma_start3A_176 : memref<8x2048xf32, #tpu.memory_space<vmem>>) target(%dma_start3A_172 : memref<8x2048xf32, #tpu.memory_space<hbm>>) target_semaphore(%arg15 : memref<!tpu.dma_semaphore, #tpu.memory_space<semaphore_mem>>)
        %add3A_177 = arith.constant 4 : i32
        %add3A_178 = arith.addi %add3A_95, %add3A_177 : i32
        %sub3A = arith.constant 7 : i32
        %sub3A_179 = arith.subi %add3A_178, %sub3A : i32
        %ge3A = arith.constant 0 : i32
        %ge3A_180 = arith.cmpi sge, %sub3A_179, %ge3A : i32
        %convert_element_type3A_181 = arith.extui %ge3A_180 : i1 to i32
        %cond3A_182 = arith.constant 0 : i32
        %cond3A_183 = arith.cmpi ne, %convert_element_type3A_181, %cond3A_182 : i32
        scf.if %cond3A_183 {
          %dma_wait3A_189 = arith.constant 5 : i32
          %dma_wait3A_190 = arith.constant 0 : i32
          %dma_wait3A_191 = arith.constant 0 : i32
          %dma_wait3A_192 = tpu.memref_slice %arg6[%dma_wait3A_189, %dma_wait3A_190, %dma_wait3A_191] : memref<7x8x2048xf32, #tpu.memory_space<vmem>> -> memref<1x8x2048xf32, #tpu.memory_space<vmem>>
          %dma_wait3A_193 = tpu.memref_squeeze %dma_wait3A_192 : memref<1x8x2048xf32, #tpu.memory_space<vmem>> -> memref<8x2048xf32, #tpu.memory_space<vmem>>
          %dma_wait3A_194 = arith.constant 0 : i32
          %dma_wait3A_195 = tpu.memref_slice %arg4[%mul3A_2, %dma_wait3A_194] : memref<16384x2048xf32, #tpu.memory_space<hbm>> -> memref<8x2048xf32, #tpu.memory_space<hbm>>
          %dma_wait3A_196 = arith.constant 0 : i32
          %dma_wait3A_197 = tpu.memref_slice %arg4[%mul3A_2, %dma_wait3A_196] : memref<16384x2048xf32, #tpu.memory_space<hbm>> -> memref<8x2048xf32, #tpu.memory_space<hbm>>
          %dma_wait3A_198 = arith.constant 0 : i32
          %dma_wait3A_199 = arith.constant 0 : i32
          %dma_wait3A_200 = tpu.memref_slice %arg6[%dma_wait3A_189, %dma_wait3A_198, %dma_wait3A_199] : memref<7x8x2048xf32, #tpu.memory_space<vmem>> -> memref<1x8x2048xf32, #tpu.memory_space<vmem>>
          %dma_wait3A_201 = tpu.memref_squeeze %dma_wait3A_200 : memref<1x8x2048xf32, #tpu.memory_space<vmem>> -> memref<8x2048xf32, #tpu.memory_space<vmem>>
          tpu.wait_dma2 semaphore(%arg19 : memref<!tpu.dma_semaphore, #tpu.memory_space<semaphore_mem>>) src(%dma_wait3A_201 : memref<8x2048xf32, #tpu.memory_space<vmem>>) dst(%dma_wait3A_197 : memref<8x2048xf32, #tpu.memory_space<hbm>>)
        } else {
        }
        %lt3A_184 = arith.constant 64 : i32
        %lt3A_185 = arith.cmpi slt, %add3A_178, %lt3A_184 : i32
        %convert_element_type3A_186 = arith.extui %lt3A_185 : i1 to i32
        %cond3A_187 = arith.constant 0 : i32
        %cond3A_188 = arith.cmpi ne, %convert_element_type3A_186, %cond3A_187 : i32
        scf.if %cond3A_188 {
          %mul3A_189 = arith.constant 8 : i32
          %mul3A_190 = arith.muli %add3A_178, %mul3A_189 : i32
          %dma_start3A_191 = arith.constant 5 : i32
          %dma_start3A_192 = arith.constant 0 : i32
          %dma_start3A_193 = arith.constant 0 : i32
          %dma_start3A_194 = tpu.memref_slice %arg6[%dma_start3A_191, %dma_start3A_192, %dma_start3A_193] : memref<7x8x2048xf32, #tpu.memory_space<vmem>> -> memref<1x8x2048xf32, #tpu.memory_space<vmem>>
          %dma_start3A_195 = tpu.memref_squeeze %dma_start3A_194 : memref<1x8x2048xf32, #tpu.memory_space<vmem>> -> memref<8x2048xf32, #tpu.memory_space<vmem>>
          %dma_start3A_196 = tpu.memref_slice %arg5[%mul3A_190] : memref<512xi32, #tpu.memory_space<vmem>> -> memref<8xi32, #tpu.memory_space<vmem>>
          %dma_start3A_197 = arith.constant 0 : i32
          %dma_start3A_198 = arith.constant 0 : i32
          %dma_start3A_199 = tpu.memref_slice %arg2[%dma_start3A_197, %dma_start3A_198] : memref<128256x2048xf32, #tpu.memory_space<hbm>> -> memref<128256x2048xf32, #tpu.memory_space<hbm>>
          tpu.enqueue_indirect_dma source(%dma_start3A_199 : memref<128256x2048xf32, #tpu.memory_space<hbm>>) target(%dma_start3A_195 : memref<8x2048xf32, #tpu.memory_space<vmem>>) offsets(%dma_start3A_196 : memref<8xi32, #tpu.memory_space<vmem>>) semaphore(%arg12 : memref<!tpu.dma_semaphore, #tpu.memory_space<semaphore_mem>>)
        } else {
        }
      } else {
      }
      %mul3A_101 = arith.constant 7 : i32
      %mul3A_102 = arith.muli %scan3A_85, %mul3A_101 : i32
      %add3A_103 = arith.constant 2 : i32
      %add3A_104 = arith.addi %mul3A_102, %add3A_103 : i32
      %lt3A_105 = arith.constant 64 : i32
      %lt3A_106 = arith.cmpi slt, %add3A_104, %lt3A_105 : i32
      %convert_element_type3A_107 = arith.extui %lt3A_106 : i1 to i32
      %cond3A_108 = arith.constant 0 : i32
      %cond3A_109 = arith.cmpi ne, %convert_element_type3A_107, %cond3A_108 : i32
      scf.if %cond3A_109 {
        %dma_wait3A_146 = arith.constant 2 : i32
        %dma_wait3A_147 = arith.constant 0 : i32
        %dma_wait3A_148 = arith.constant 0 : i32
        %dma_wait3A_149 = tpu.memref_slice %arg6[%dma_wait3A_146, %dma_wait3A_147, %dma_wait3A_148] : memref<7x8x2048xf32, #tpu.memory_space<vmem>> -> memref<1x8x2048xf32, #tpu.memory_space<vmem>>
        %dma_wait3A_150 = tpu.memref_squeeze %dma_wait3A_149 : memref<1x8x2048xf32, #tpu.memory_space<vmem>> -> memref<8x2048xf32, #tpu.memory_space<vmem>>
        %dma_wait3A_151 = arith.constant 0 : i32
        %dma_wait3A_152 = arith.constant 0 : i32
        %dma_wait3A_153 = tpu.memref_slice %arg2[%dma_wait3A_151, %dma_wait3A_152] : memref<128256x2048xf32, #tpu.memory_space<hbm>> -> memref<8x2048xf32, #tpu.memory_space<hbm>>
        %dma_wait3A_154 = arith.constant 0 : i32
        %dma_wait3A_155 = arith.constant 0 : i32
        %dma_wait3A_156 = tpu.memref_slice %arg6[%dma_wait3A_146, %dma_wait3A_154, %dma_wait3A_155] : memref<7x8x2048xf32, #tpu.memory_space<vmem>> -> memref<1x8x2048xf32, #tpu.memory_space<vmem>>
        %dma_wait3A_157 = tpu.memref_squeeze %dma_wait3A_156 : memref<1x8x2048xf32, #tpu.memory_space<vmem>> -> memref<8x2048xf32, #tpu.memory_space<vmem>>
        %dma_wait3A_158 = arith.constant 0 : i32
        %dma_wait3A_159 = arith.constant 0 : i32
        %dma_wait3A_160 = tpu.memref_slice %arg2[%dma_wait3A_158, %dma_wait3A_159] : memref<128256x2048xf32, #tpu.memory_space<hbm>> -> memref<8x2048xf32, #tpu.memory_space<hbm>>
        tpu.wait_dma2 semaphore(%arg9 : memref<!tpu.dma_semaphore, #tpu.memory_space<semaphore_mem>>) src(%dma_wait3A_160 : memref<8x2048xf32, #tpu.memory_space<hbm>>) dst(%dma_wait3A_157 : memref<8x2048xf32, #tpu.memory_space<vmem>>)
        %mul3A_161 = arith.constant 8 : i32
        %mul3A_162 = arith.muli %add3A_104, %mul3A_161 : i32
        %add3A_163 = arith.addi %mul3A_2, %mul3A_162 : i32
        %dma_start3A_164 = arith.constant 2 : i32
        %dma_start3A_165 = arith.constant 0 : i32
        %dma_start3A_166 = arith.constant 0 : i32
        %dma_start3A_167 = tpu.memref_slice %arg6[%dma_start3A_164, %dma_start3A_165, %dma_start3A_166] : memref<7x8x2048xf32, #tpu.memory_space<vmem>> -> memref<1x8x2048xf32, #tpu.memory_space<vmem>>
        %dma_start3A_168 = tpu.memref_squeeze %dma_start3A_167 : memref<1x8x2048xf32, #tpu.memory_space<vmem>> -> memref<8x2048xf32, #tpu.memory_space<vmem>>
        %dma_start3A_169 = arith.constant 0 : i32
        %dma_start3A_170 = tpu.memref_slice %arg4[%add3A_163, %dma_start3A_169] : memref<16384x2048xf32, #tpu.memory_space<hbm>> -> memref<8x2048xf32, #tpu.memory_space<hbm>>
        %dma_start3A_171 = arith.constant 0 : i32
        %dma_start3A_172 = tpu.memref_slice %arg4[%add3A_163, %dma_start3A_171] : memref<16384x2048xf32, #tpu.memory_space<hbm>> -> memref<8x2048xf32, #tpu.memory_space<hbm>>
        %dma_start3A_173 = arith.constant 0 : i32
        %dma_start3A_174 = arith.constant 0 : i32
        %dma_start3A_175 = tpu.memref_slice %arg6[%dma_start3A_164, %dma_start3A_173, %dma_start3A_174] : memref<7x8x2048xf32, #tpu.memory_space<vmem>> -> memref<1x8x2048xf32, #tpu.memory_space<vmem>>
        %dma_start3A_176 = tpu.memref_squeeze %dma_start3A_175 : memref<1x8x2048xf32, #tpu.memory_space<vmem>> -> memref<8x2048xf32, #tpu.memory_space<vmem>>
        tpu.enqueue_dma source(%dma_start3A_176 : memref<8x2048xf32, #tpu.memory_space<vmem>>) target(%dma_start3A_172 : memref<8x2048xf32, #tpu.memory_space<hbm>>) target_semaphore(%arg16 : memref<!tpu.dma_semaphore, #tpu.memory_space<semaphore_mem>>)
        %add3A_177 = arith.constant 4 : i32
        %add3A_178 = arith.addi %add3A_104, %add3A_177 : i32
        %sub3A = arith.constant 7 : i32
        %sub3A_179 = arith.subi %add3A_178, %sub3A : i32
        %ge3A = arith.constant 0 : i32
        %ge3A_180 = arith.cmpi sge, %sub3A_179, %ge3A : i32
        %convert_element_type3A_181 = arith.extui %ge3A_180 : i1 to i32
        %cond3A_182 = arith.constant 0 : i32
        %cond3A_183 = arith.cmpi ne, %convert_element_type3A_181, %cond3A_182 : i32
        scf.if %cond3A_183 {
          %dma_wait3A_189 = arith.constant 6 : i32
          %dma_wait3A_190 = arith.constant 0 : i32
          %dma_wait3A_191 = arith.constant 0 : i32
          %dma_wait3A_192 = tpu.memref_slice %arg6[%dma_wait3A_189, %dma_wait3A_190, %dma_wait3A_191] : memref<7x8x2048xf32, #tpu.memory_space<vmem>> -> memref<1x8x2048xf32, #tpu.memory_space<vmem>>
          %dma_wait3A_193 = tpu.memref_squeeze %dma_wait3A_192 : memref<1x8x2048xf32, #tpu.memory_space<vmem>> -> memref<8x2048xf32, #tpu.memory_space<vmem>>
          %dma_wait3A_194 = arith.constant 0 : i32
          %dma_wait3A_195 = tpu.memref_slice %arg4[%mul3A_2, %dma_wait3A_194] : memref<16384x2048xf32, #tpu.memory_space<hbm>> -> memref<8x2048xf32, #tpu.memory_space<hbm>>
          %dma_wait3A_196 = arith.constant 0 : i32
          %dma_wait3A_197 = tpu.memref_slice %arg4[%mul3A_2, %dma_wait3A_196] : memref<16384x2048xf32, #tpu.memory_space<hbm>> -> memref<8x2048xf32, #tpu.memory_space<hbm>>
          %dma_wait3A_198 = arith.constant 0 : i32
          %dma_wait3A_199 = arith.constant 0 : i32
          %dma_wait3A_200 = tpu.memref_slice %arg6[%dma_wait3A_189, %dma_wait3A_198, %dma_wait3A_199] : memref<7x8x2048xf32, #tpu.memory_space<vmem>> -> memref<1x8x2048xf32, #tpu.memory_space<vmem>>
          %dma_wait3A_201 = tpu.memref_squeeze %dma_wait3A_200 : memref<1x8x2048xf32, #tpu.memory_space<vmem>> -> memref<8x2048xf32, #tpu.memory_space<vmem>>
          tpu.wait_dma2 semaphore(%arg20 : memref<!tpu.dma_semaphore, #tpu.memory_space<semaphore_mem>>) src(%dma_wait3A_201 : memref<8x2048xf32, #tpu.memory_space<vmem>>) dst(%dma_wait3A_197 : memref<8x2048xf32, #tpu.memory_space<hbm>>)
        } else {
        }
        %lt3A_184 = arith.constant 64 : i32
        %lt3A_185 = arith.cmpi slt, %add3A_178, %lt3A_184 : i32
        %convert_element_type3A_186 = arith.extui %lt3A_185 : i1 to i32
        %cond3A_187 = arith.constant 0 : i32
        %cond3A_188 = arith.cmpi ne, %convert_element_type3A_186, %cond3A_187 : i32
        scf.if %cond3A_188 {
          %mul3A_189 = arith.constant 8 : i32
          %mul3A_190 = arith.muli %add3A_178, %mul3A_189 : i32
          %dma_start3A_191 = arith.constant 6 : i32
          %dma_start3A_192 = arith.constant 0 : i32
          %dma_start3A_193 = arith.constant 0 : i32
          %dma_start3A_194 = tpu.memref_slice %arg6[%dma_start3A_191, %dma_start3A_192, %dma_start3A_193] : memref<7x8x2048xf32, #tpu.memory_space<vmem>> -> memref<1x8x2048xf32, #tpu.memory_space<vmem>>
          %dma_start3A_195 = tpu.memref_squeeze %dma_start3A_194 : memref<1x8x2048xf32, #tpu.memory_space<vmem>> -> memref<8x2048xf32, #tpu.memory_space<vmem>>
          %dma_start3A_196 = tpu.memref_slice %arg5[%mul3A_190] : memref<512xi32, #tpu.memory_space<vmem>> -> memref<8xi32, #tpu.memory_space<vmem>>
          %dma_start3A_197 = arith.constant 0 : i32
          %dma_start3A_198 = arith.constant 0 : i32
          %dma_start3A_199 = tpu.memref_slice %arg2[%dma_start3A_197, %dma_start3A_198] : memref<128256x2048xf32, #tpu.memory_space<hbm>> -> memref<128256x2048xf32, #tpu.memory_space<hbm>>
          tpu.enqueue_indirect_dma source(%dma_start3A_199 : memref<128256x2048xf32, #tpu.memory_space<hbm>>) target(%dma_start3A_195 : memref<8x2048xf32, #tpu.memory_space<vmem>>) offsets(%dma_start3A_196 : memref<8xi32, #tpu.memory_space<vmem>>) semaphore(%arg13 : memref<!tpu.dma_semaphore, #tpu.memory_space<semaphore_mem>>)
        } else {
        }
      } else {
      }
      %mul3A_110 = arith.constant 7 : i32
      %mul3A_111 = arith.muli %scan3A_85, %mul3A_110 : i32
      %add3A_112 = arith.constant 3 : i32
      %add3A_113 = arith.addi %mul3A_111, %add3A_112 : i32
      %lt3A_114 = arith.constant 64 : i32
      %lt3A_115 = arith.cmpi slt, %add3A_113, %lt3A_114 : i32
      %convert_element_type3A_116 = arith.extui %lt3A_115 : i1 to i32
      %cond3A_117 = arith.constant 0 : i32
      %cond3A_118 = arith.cmpi ne, %convert_element_type3A_116, %cond3A_117 : i32
      scf.if %cond3A_118 {
        %dma_wait3A_146 = arith.constant 3 : i32
        %dma_wait3A_147 = arith.constant 0 : i32
        %dma_wait3A_148 = arith.constant 0 : i32
        %dma_wait3A_149 = tpu.memref_slice %arg6[%dma_wait3A_146, %dma_wait3A_147, %dma_wait3A_148] : memref<7x8x2048xf32, #tpu.memory_space<vmem>> -> memref<1x8x2048xf32, #tpu.memory_space<vmem>>
        %dma_wait3A_150 = tpu.memref_squeeze %dma_wait3A_149 : memref<1x8x2048xf32, #tpu.memory_space<vmem>> -> memref<8x2048xf32, #tpu.memory_space<vmem>>
        %dma_wait3A_151 = arith.constant 0 : i32
        %dma_wait3A_152 = arith.constant 0 : i32
        %dma_wait3A_153 = tpu.memref_slice %arg2[%dma_wait3A_151, %dma_wait3A_152] : memref<128256x2048xf32, #tpu.memory_space<hbm>> -> memref<8x2048xf32, #tpu.memory_space<hbm>>
        %dma_wait3A_154 = arith.constant 0 : i32
        %dma_wait3A_155 = arith.constant 0 : i32
        %dma_wait3A_156 = tpu.memref_slice %arg6[%dma_wait3A_146, %dma_wait3A_154, %dma_wait3A_155] : memref<7x8x2048xf32, #tpu.memory_space<vmem>> -> memref<1x8x2048xf32, #tpu.memory_space<vmem>>
        %dma_wait3A_157 = tpu.memref_squeeze %dma_wait3A_156 : memref<1x8x2048xf32, #tpu.memory_space<vmem>> -> memref<8x2048xf32, #tpu.memory_space<vmem>>
        %dma_wait3A_158 = arith.constant 0 : i32
        %dma_wait3A_159 = arith.constant 0 : i32
        %dma_wait3A_160 = tpu.memref_slice %arg2[%dma_wait3A_158, %dma_wait3A_159] : memref<128256x2048xf32, #tpu.memory_space<hbm>> -> memref<8x2048xf32, #tpu.memory_space<hbm>>
        tpu.wait_dma2 semaphore(%arg10 : memref<!tpu.dma_semaphore, #tpu.memory_space<semaphore_mem>>) src(%dma_wait3A_160 : memref<8x2048xf32, #tpu.memory_space<hbm>>) dst(%dma_wait3A_157 : memref<8x2048xf32, #tpu.memory_space<vmem>>)
        %mul3A_161 = arith.constant 8 : i32
        %mul3A_162 = arith.muli %add3A_113, %mul3A_161 : i32
        %add3A_163 = arith.addi %mul3A_2, %mul3A_162 : i32
        %dma_start3A_164 = arith.constant 3 : i32
        %dma_start3A_165 = arith.constant 0 : i32
        %dma_start3A_166 = arith.constant 0 : i32
        %dma_start3A_167 = tpu.memref_slice %arg6[%dma_start3A_164, %dma_start3A_165, %dma_start3A_166] : memref<7x8x2048xf32, #tpu.memory_space<vmem>> -> memref<1x8x2048xf32, #tpu.memory_space<vmem>>
        %dma_start3A_168 = tpu.memref_squeeze %dma_start3A_167 : memref<1x8x2048xf32, #tpu.memory_space<vmem>> -> memref<8x2048xf32, #tpu.memory_space<vmem>>
        %dma_start3A_169 = arith.constant 0 : i32
        %dma_start3A_170 = tpu.memref_slice %arg4[%add3A_163, %dma_start3A_169] : memref<16384x2048xf32, #tpu.memory_space<hbm>> -> memref<8x2048xf32, #tpu.memory_space<hbm>>
        %dma_start3A_171 = arith.constant 0 : i32
        %dma_start3A_172 = tpu.memref_slice %arg4[%add3A_163, %dma_start3A_171] : memref<16384x2048xf32, #tpu.memory_space<hbm>> -> memref<8x2048xf32, #tpu.memory_space<hbm>>
        %dma_start3A_173 = arith.constant 0 : i32
        %dma_start3A_174 = arith.constant 0 : i32
        %dma_start3A_175 = tpu.memref_slice %arg6[%dma_start3A_164, %dma_start3A_173, %dma_start3A_174] : memref<7x8x2048xf32, #tpu.memory_space<vmem>> -> memref<1x8x2048xf32, #tpu.memory_space<vmem>>
        %dma_start3A_176 = tpu.memref_squeeze %dma_start3A_175 : memref<1x8x2048xf32, #tpu.memory_space<vmem>> -> memref<8x2048xf32, #tpu.memory_space<vmem>>
        tpu.enqueue_dma source(%dma_start3A_176 : memref<8x2048xf32, #tpu.memory_space<vmem>>) target(%dma_start3A_172 : memref<8x2048xf32, #tpu.memory_space<hbm>>) target_semaphore(%arg17 : memref<!tpu.dma_semaphore, #tpu.memory_space<semaphore_mem>>)
        %add3A_177 = arith.constant 4 : i32
        %add3A_178 = arith.addi %add3A_113, %add3A_177 : i32
        %sub3A = arith.constant 7 : i32
        %sub3A_179 = arith.subi %add3A_178, %sub3A : i32
        %ge3A = arith.constant 0 : i32
        %ge3A_180 = arith.cmpi sge, %sub3A_179, %ge3A : i32
        %convert_element_type3A_181 = arith.extui %ge3A_180 : i1 to i32
        %cond3A_182 = arith.constant 0 : i32
        %cond3A_183 = arith.cmpi ne, %convert_element_type3A_181, %cond3A_182 : i32
        scf.if %cond3A_183 {
          %dma_wait3A_189 = arith.constant 0 : i32
          %dma_wait3A_190 = arith.constant 0 : i32
          %dma_wait3A_191 = arith.constant 0 : i32
          %dma_wait3A_192 = tpu.memref_slice %arg6[%dma_wait3A_189, %dma_wait3A_190, %dma_wait3A_191] : memref<7x8x2048xf32, #tpu.memory_space<vmem>> -> memref<1x8x2048xf32, #tpu.memory_space<vmem>>
          %dma_wait3A_193 = tpu.memref_squeeze %dma_wait3A_192 : memref<1x8x2048xf32, #tpu.memory_space<vmem>> -> memref<8x2048xf32, #tpu.memory_space<vmem>>
          %dma_wait3A_194 = arith.constant 0 : i32
          %dma_wait3A_195 = tpu.memref_slice %arg4[%mul3A_2, %dma_wait3A_194] : memref<16384x2048xf32, #tpu.memory_space<hbm>> -> memref<8x2048xf32, #tpu.memory_space<hbm>>
          %dma_wait3A_196 = arith.constant 0 : i32
          %dma_wait3A_197 = tpu.memref_slice %arg4[%mul3A_2, %dma_wait3A_196] : memref<16384x2048xf32, #tpu.memory_space<hbm>> -> memref<8x2048xf32, #tpu.memory_space<hbm>>
          %dma_wait3A_198 = arith.constant 0 : i32
          %dma_wait3A_199 = arith.constant 0 : i32
          %dma_wait3A_200 = tpu.memref_slice %arg6[%dma_wait3A_189, %dma_wait3A_198, %dma_wait3A_199] : memref<7x8x2048xf32, #tpu.memory_space<vmem>> -> memref<1x8x2048xf32, #tpu.memory_space<vmem>>
          %dma_wait3A_201 = tpu.memref_squeeze %dma_wait3A_200 : memref<1x8x2048xf32, #tpu.memory_space<vmem>> -> memref<8x2048xf32, #tpu.memory_space<vmem>>
          tpu.wait_dma2 semaphore(%arg14 : memref<!tpu.dma_semaphore, #tpu.memory_space<semaphore_mem>>) src(%dma_wait3A_201 : memref<8x2048xf32, #tpu.memory_space<vmem>>) dst(%dma_wait3A_197 : memref<8x2048xf32, #tpu.memory_space<hbm>>)
        } else {
        }
        %lt3A_184 = arith.constant 64 : i32
        %lt3A_185 = arith.cmpi slt, %add3A_178, %lt3A_184 : i32
        %convert_element_type3A_186 = arith.extui %lt3A_185 : i1 to i32
        %cond3A_187 = arith.constant 0 : i32
        %cond3A_188 = arith.cmpi ne, %convert_element_type3A_186, %cond3A_187 : i32
        scf.if %cond3A_188 {
          %mul3A_189 = arith.constant 8 : i32
          %mul3A_190 = arith.muli %add3A_178, %mul3A_189 : i32
          %dma_start3A_191 = arith.constant 0 : i32
          %dma_start3A_192 = arith.constant 0 : i32
          %dma_start3A_193 = arith.constant 0 : i32
          %dma_start3A_194 = tpu.memref_slice %arg6[%dma_start3A_191, %dma_start3A_192, %dma_start3A_193] : memref<7x8x2048xf32, #tpu.memory_space<vmem>> -> memref<1x8x2048xf32, #tpu.memory_space<vmem>>
          %dma_start3A_195 = tpu.memref_squeeze %dma_start3A_194 : memref<1x8x2048xf32, #tpu.memory_space<vmem>> -> memref<8x2048xf32, #tpu.memory_space<vmem>>
          %dma_start3A_196 = tpu.memref_slice %arg5[%mul3A_190] : memref<512xi32, #tpu.memory_space<vmem>> -> memref<8xi32, #tpu.memory_space<vmem>>
          %dma_start3A_197 = arith.constant 0 : i32
          %dma_start3A_198 = arith.constant 0 : i32
          %dma_start3A_199 = tpu.memref_slice %arg2[%dma_start3A_197, %dma_start3A_198] : memref<128256x2048xf32, #tpu.memory_space<hbm>> -> memref<128256x2048xf32, #tpu.memory_space<hbm>>
          tpu.enqueue_indirect_dma source(%dma_start3A_199 : memref<128256x2048xf32, #tpu.memory_space<hbm>>) target(%dma_start3A_195 : memref<8x2048xf32, #tpu.memory_space<vmem>>) offsets(%dma_start3A_196 : memref<8xi32, #tpu.memory_space<vmem>>) semaphore(%arg7 : memref<!tpu.dma_semaphore, #tpu.memory_space<semaphore_mem>>)
        } else {
        }
      } else {
      }
      %mul3A_119 = arith.constant 7 : i32
      %mul3A_120 = arith.muli %scan3A_85, %mul3A_119 : i32
      %add3A_121 = arith.constant 4 : i32
      %add3A_122 = arith.addi %mul3A_120, %add3A_121 : i32
      %lt3A_123 = arith.constant 64 : i32
      %lt3A_124 = arith.cmpi slt, %add3A_122, %lt3A_123 : i32
      %convert_element_type3A_125 = arith.extui %lt3A_124 : i1 to i32
      %cond3A_126 = arith.constant 0 : i32
      %cond3A_127 = arith.cmpi ne, %convert_element_type3A_125, %cond3A_126 : i32
      scf.if %cond3A_127 {
        %dma_wait3A_146 = arith.constant 4 : i32
        %dma_wait3A_147 = arith.constant 0 : i32
        %dma_wait3A_148 = arith.constant 0 : i32
        %dma_wait3A_149 = tpu.memref_slice %arg6[%dma_wait3A_146, %dma_wait3A_147, %dma_wait3A_148] : memref<7x8x2048xf32, #tpu.memory_space<vmem>> -> memref<1x8x2048xf32, #tpu.memory_space<vmem>>
        %dma_wait3A_150 = tpu.memref_squeeze %dma_wait3A_149 : memref<1x8x2048xf32, #tpu.memory_space<vmem>> -> memref<8x2048xf32, #tpu.memory_space<vmem>>
        %dma_wait3A_151 = arith.constant 0 : i32
        %dma_wait3A_152 = arith.constant 0 : i32
        %dma_wait3A_153 = tpu.memref_slice %arg2[%dma_wait3A_151, %dma_wait3A_152] : memref<128256x2048xf32, #tpu.memory_space<hbm>> -> memref<8x2048xf32, #tpu.memory_space<hbm>>
        %dma_wait3A_154 = arith.constant 0 : i32
        %dma_wait3A_155 = arith.constant 0 : i32
        %dma_wait3A_156 = tpu.memref_slice %arg6[%dma_wait3A_146, %dma_wait3A_154, %dma_wait3A_155] : memref<7x8x2048xf32, #tpu.memory_space<vmem>> -> memref<1x8x2048xf32, #tpu.memory_space<vmem>>
        %dma_wait3A_157 = tpu.memref_squeeze %dma_wait3A_156 : memref<1x8x2048xf32, #tpu.memory_space<vmem>> -> memref<8x2048xf32, #tpu.memory_space<vmem>>
        %dma_wait3A_158 = arith.constant 0 : i32
        %dma_wait3A_159 = arith.constant 0 : i32
        %dma_wait3A_160 = tpu.memref_slice %arg2[%dma_wait3A_158, %dma_wait3A_159] : memref<128256x2048xf32, #tpu.memory_space<hbm>> -> memref<8x2048xf32, #tpu.memory_space<hbm>>
        tpu.wait_dma2 semaphore(%arg11 : memref<!tpu.dma_semaphore, #tpu.memory_space<semaphore_mem>>) src(%dma_wait3A_160 : memref<8x2048xf32, #tpu.memory_space<hbm>>) dst(%dma_wait3A_157 : memref<8x2048xf32, #tpu.memory_space<vmem>>)
        %mul3A_161 = arith.constant 8 : i32
        %mul3A_162 = arith.muli %add3A_122, %mul3A_161 : i32
        %add3A_163 = arith.addi %mul3A_2, %mul3A_162 : i32
        %dma_start3A_164 = arith.constant 4 : i32
        %dma_start3A_165 = arith.constant 0 : i32
        %dma_start3A_166 = arith.constant 0 : i32
        %dma_start3A_167 = tpu.memref_slice %arg6[%dma_start3A_164, %dma_start3A_165, %dma_start3A_166] : memref<7x8x2048xf32, #tpu.memory_space<vmem>> -> memref<1x8x2048xf32, #tpu.memory_space<vmem>>
        %dma_start3A_168 = tpu.memref_squeeze %dma_start3A_167 : memref<1x8x2048xf32, #tpu.memory_space<vmem>> -> memref<8x2048xf32, #tpu.memory_space<vmem>>
        %dma_start3A_169 = arith.constant 0 : i32
        %dma_start3A_170 = tpu.memref_slice %arg4[%add3A_163, %dma_start3A_169] : memref<16384x2048xf32, #tpu.memory_space<hbm>> -> memref<8x2048xf32, #tpu.memory_space<hbm>>
        %dma_start3A_171 = arith.constant 0 : i32
        %dma_start3A_172 = tpu.memref_slice %arg4[%add3A_163, %dma_start3A_171] : memref<16384x2048xf32, #tpu.memory_space<hbm>> -> memref<8x2048xf32, #tpu.memory_space<hbm>>
        %dma_start3A_173 = arith.constant 0 : i32
        %dma_start3A_174 = arith.constant 0 : i32
        %dma_start3A_175 = tpu.memref_slice %arg6[%dma_start3A_164, %dma_start3A_173, %dma_start3A_174] : memref<7x8x2048xf32, #tpu.memory_space<vmem>> -> memref<1x8x2048xf32, #tpu.memory_space<vmem>>
        %dma_start3A_176 = tpu.memref_squeeze %dma_start3A_175 : memref<1x8x2048xf32, #tpu.memory_space<vmem>> -> memref<8x2048xf32, #tpu.memory_space<vmem>>
        tpu.enqueue_dma source(%dma_start3A_176 : memref<8x2048xf32, #tpu.memory_space<vmem>>) target(%dma_start3A_172 : memref<8x2048xf32, #tpu.memory_space<hbm>>) target_semaphore(%arg18 : memref<!tpu.dma_semaphore, #tpu.memory_space<semaphore_mem>>)
        %add3A_177 = arith.constant 4 : i32
        %add3A_178 = arith.addi %add3A_122, %add3A_177 : i32
        %sub3A = arith.constant 7 : i32
        %sub3A_179 = arith.subi %add3A_178, %sub3A : i32
        %ge3A = arith.constant 0 : i32
        %ge3A_180 = arith.cmpi sge, %sub3A_179, %ge3A : i32
        %convert_element_type3A_181 = arith.extui %ge3A_180 : i1 to i32
        %cond3A_182 = arith.constant 0 : i32
        %cond3A_183 = arith.cmpi ne, %convert_element_type3A_181, %cond3A_182 : i32
        scf.if %cond3A_183 {
          %dma_wait3A_189 = arith.constant 1 : i32
          %dma_wait3A_190 = arith.constant 0 : i32
          %dma_wait3A_191 = arith.constant 0 : i32
          %dma_wait3A_192 = tpu.memref_slice %arg6[%dma_wait3A_189, %dma_wait3A_190, %dma_wait3A_191] : memref<7x8x2048xf32, #tpu.memory_space<vmem>> -> memref<1x8x2048xf32, #tpu.memory_space<vmem>>
          %dma_wait3A_193 = tpu.memref_squeeze %dma_wait3A_192 : memref<1x8x2048xf32, #tpu.memory_space<vmem>> -> memref<8x2048xf32, #tpu.memory_space<vmem>>
          %dma_wait3A_194 = arith.constant 0 : i32
          %dma_wait3A_195 = tpu.memref_slice %arg4[%mul3A_2, %dma_wait3A_194] : memref<16384x2048xf32, #tpu.memory_space<hbm>> -> memref<8x2048xf32, #tpu.memory_space<hbm>>
          %dma_wait3A_196 = arith.constant 0 : i32
          %dma_wait3A_197 = tpu.memref_slice %arg4[%mul3A_2, %dma_wait3A_196] : memref<16384x2048xf32, #tpu.memory_space<hbm>> -> memref<8x2048xf32, #tpu.memory_space<hbm>>
          %dma_wait3A_198 = arith.constant 0 : i32
          %dma_wait3A_199 = arith.constant 0 : i32
          %dma_wait3A_200 = tpu.memref_slice %arg6[%dma_wait3A_189, %dma_wait3A_198, %dma_wait3A_199] : memref<7x8x2048xf32, #tpu.memory_space<vmem>> -> memref<1x8x2048xf32, #tpu.memory_space<vmem>>
          %dma_wait3A_201 = tpu.memref_squeeze %dma_wait3A_200 : memref<1x8x2048xf32, #tpu.memory_space<vmem>> -> memref<8x2048xf32, #tpu.memory_space<vmem>>
          tpu.wait_dma2 semaphore(%arg15 : memref<!tpu.dma_semaphore, #tpu.memory_space<semaphore_mem>>) src(%dma_wait3A_201 : memref<8x2048xf32, #tpu.memory_space<vmem>>) dst(%dma_wait3A_197 : memref<8x2048xf32, #tpu.memory_space<hbm>>)
        } else {
        }
        %lt3A_184 = arith.constant 64 : i32
        %lt3A_185 = arith.cmpi slt, %add3A_178, %lt3A_184 : i32
        %convert_element_type3A_186 = arith.extui %lt3A_185 : i1 to i32
        %cond3A_187 = arith.constant 0 : i32
        %cond3A_188 = arith.cmpi ne, %convert_element_type3A_186, %cond3A_187 : i32
        scf.if %cond3A_188 {
          %mul3A_189 = arith.constant 8 : i32
          %mul3A_190 = arith.muli %add3A_178, %mul3A_189 : i32
          %dma_start3A_191 = arith.constant 1 : i32
          %dma_start3A_192 = arith.constant 0 : i32
          %dma_start3A_193 = arith.constant 0 : i32
          %dma_start3A_194 = tpu.memref_slice %arg6[%dma_start3A_191, %dma_start3A_192, %dma_start3A_193] : memref<7x8x2048xf32, #tpu.memory_space<vmem>> -> memref<1x8x2048xf32, #tpu.memory_space<vmem>>
          %dma_start3A_195 = tpu.memref_squeeze %dma_start3A_194 : memref<1x8x2048xf32, #tpu.memory_space<vmem>> -> memref<8x2048xf32, #tpu.memory_space<vmem>>
          %dma_start3A_196 = tpu.memref_slice %arg5[%mul3A_190] : memref<512xi32, #tpu.memory_space<vmem>> -> memref<8xi32, #tpu.memory_space<vmem>>
          %dma_start3A_197 = arith.constant 0 : i32
          %dma_start3A_198 = arith.constant 0 : i32
          %dma_start3A_199 = tpu.memref_slice %arg2[%dma_start3A_197, %dma_start3A_198] : memref<128256x2048xf32, #tpu.memory_space<hbm>> -> memref<128256x2048xf32, #tpu.memory_space<hbm>>
          tpu.enqueue_indirect_dma source(%dma_start3A_199 : memref<128256x2048xf32, #tpu.memory_space<hbm>>) target(%dma_start3A_195 : memref<8x2048xf32, #tpu.memory_space<vmem>>) offsets(%dma_start3A_196 : memref<8xi32, #tpu.memory_space<vmem>>) semaphore(%arg8 : memref<!tpu.dma_semaphore, #tpu.memory_space<semaphore_mem>>)
        } else {
        }
      } else {
      }
      %mul3A_128 = arith.constant 7 : i32
      %mul3A_129 = arith.muli %scan3A_85, %mul3A_128 : i32
      %add3A_130 = arith.constant 5 : i32
      %add3A_131 = arith.addi %mul3A_129, %add3A_130 : i32
      %lt3A_132 = arith.constant 64 : i32
      %lt3A_133 = arith.cmpi slt, %add3A_131, %lt3A_132 : i32
      %convert_element_type3A_134 = arith.extui %lt3A_133 : i1 to i32
      %cond3A_135 = arith.constant 0 : i32
      %cond3A_136 = arith.cmpi ne, %convert_element_type3A_134, %cond3A_135 : i32
      scf.if %cond3A_136 {
        %dma_wait3A_146 = arith.constant 5 : i32
        %dma_wait3A_147 = arith.constant 0 : i32
        %dma_wait3A_148 = arith.constant 0 : i32
        %dma_wait3A_149 = tpu.memref_slice %arg6[%dma_wait3A_146, %dma_wait3A_147, %dma_wait3A_148] : memref<7x8x2048xf32, #tpu.memory_space<vmem>> -> memref<1x8x2048xf32, #tpu.memory_space<vmem>>
        %dma_wait3A_150 = tpu.memref_squeeze %dma_wait3A_149 : memref<1x8x2048xf32, #tpu.memory_space<vmem>> -> memref<8x2048xf32, #tpu.memory_space<vmem>>
        %dma_wait3A_151 = arith.constant 0 : i32
        %dma_wait3A_152 = arith.constant 0 : i32
        %dma_wait3A_153 = tpu.memref_slice %arg2[%dma_wait3A_151, %dma_wait3A_152] : memref<128256x2048xf32, #tpu.memory_space<hbm>> -> memref<8x2048xf32, #tpu.memory_space<hbm>>
        %dma_wait3A_154 = arith.constant 0 : i32
        %dma_wait3A_155 = arith.constant 0 : i32
        %dma_wait3A_156 = tpu.memref_slice %arg6[%dma_wait3A_146, %dma_wait3A_154, %dma_wait3A_155] : memref<7x8x2048xf32, #tpu.memory_space<vmem>> -> memref<1x8x2048xf32, #tpu.memory_space<vmem>>
        %dma_wait3A_157 = tpu.memref_squeeze %dma_wait3A_156 : memref<1x8x2048xf32, #tpu.memory_space<vmem>> -> memref<8x2048xf32, #tpu.memory_space<vmem>>
        %dma_wait3A_158 = arith.constant 0 : i32
        %dma_wait3A_159 = arith.constant 0 : i32
        %dma_wait3A_160 = tpu.memref_slice %arg2[%dma_wait3A_158, %dma_wait3A_159] : memref<128256x2048xf32, #tpu.memory_space<hbm>> -> memref<8x2048xf32, #tpu.memory_space<hbm>>
        tpu.wait_dma2 semaphore(%arg12 : memref<!tpu.dma_semaphore, #tpu.memory_space<semaphore_mem>>) src(%dma_wait3A_160 : memref<8x2048xf32, #tpu.memory_space<hbm>>) dst(%dma_wait3A_157 : memref<8x2048xf32, #tpu.memory_space<vmem>>)
        %mul3A_161 = arith.constant 8 : i32
        %mul3A_162 = arith.muli %add3A_131, %mul3A_161 : i32
        %add3A_163 = arith.addi %mul3A_2, %mul3A_162 : i32
        %dma_start3A_164 = arith.constant 5 : i32
        %dma_start3A_165 = arith.constant 0 : i32
        %dma_start3A_166 = arith.constant 0 : i32
        %dma_start3A_167 = tpu.memref_slice %arg6[%dma_start3A_164, %dma_start3A_165, %dma_start3A_166] : memref<7x8x2048xf32, #tpu.memory_space<vmem>> -> memref<1x8x2048xf32, #tpu.memory_space<vmem>>
        %dma_start3A_168 = tpu.memref_squeeze %dma_start3A_167 : memref<1x8x2048xf32, #tpu.memory_space<vmem>> -> memref<8x2048xf32, #tpu.memory_space<vmem>>
        %dma_start3A_169 = arith.constant 0 : i32
        %dma_start3A_170 = tpu.memref_slice %arg4[%add3A_163, %dma_start3A_169] : memref<16384x2048xf32, #tpu.memory_space<hbm>> -> memref<8x2048xf32, #tpu.memory_space<hbm>>
        %dma_start3A_171 = arith.constant 0 : i32
        %dma_start3A_172 = tpu.memref_slice %arg4[%add3A_163, %dma_start3A_171] : memref<16384x2048xf32, #tpu.memory_space<hbm>> -> memref<8x2048xf32, #tpu.memory_space<hbm>>
        %dma_start3A_173 = arith.constant 0 : i32
        %dma_start3A_174 = arith.constant 0 : i32
        %dma_start3A_175 = tpu.memref_slice %arg6[%dma_start3A_164, %dma_start3A_173, %dma_start3A_174] : memref<7x8x2048xf32, #tpu.memory_space<vmem>> -> memref<1x8x2048xf32, #tpu.memory_space<vmem>>
        %dma_start3A_176 = tpu.memref_squeeze %dma_start3A_175 : memref<1x8x2048xf32, #tpu.memory_space<vmem>> -> memref<8x2048xf32, #tpu.memory_space<vmem>>
        tpu.enqueue_dma source(%dma_start3A_176 : memref<8x2048xf32, #tpu.memory_space<vmem>>) target(%dma_start3A_172 : memref<8x2048xf32, #tpu.memory_space<hbm>>) target_semaphore(%arg19 : memref<!tpu.dma_semaphore, #tpu.memory_space<semaphore_mem>>)
        %add3A_177 = arith.constant 4 : i32
        %add3A_178 = arith.addi %add3A_131, %add3A_177 : i32
        %sub3A = arith.constant 7 : i32
        %sub3A_179 = arith.subi %add3A_178, %sub3A : i32
        %ge3A = arith.constant 0 : i32
        %ge3A_180 = arith.cmpi sge, %sub3A_179, %ge3A : i32
        %convert_element_type3A_181 = arith.extui %ge3A_180 : i1 to i32
        %cond3A_182 = arith.constant 0 : i32
        %cond3A_183 = arith.cmpi ne, %convert_element_type3A_181, %cond3A_182 : i32
        scf.if %cond3A_183 {
          %dma_wait3A_189 = arith.constant 2 : i32
          %dma_wait3A_190 = arith.constant 0 : i32
          %dma_wait3A_191 = arith.constant 0 : i32
          %dma_wait3A_192 = tpu.memref_slice %arg6[%dma_wait3A_189, %dma_wait3A_190, %dma_wait3A_191] : memref<7x8x2048xf32, #tpu.memory_space<vmem>> -> memref<1x8x2048xf32, #tpu.memory_space<vmem>>
          %dma_wait3A_193 = tpu.memref_squeeze %dma_wait3A_192 : memref<1x8x2048xf32, #tpu.memory_space<vmem>> -> memref<8x2048xf32, #tpu.memory_space<vmem>>
          %dma_wait3A_194 = arith.constant 0 : i32
          %dma_wait3A_195 = tpu.memref_slice %arg4[%mul3A_2, %dma_wait3A_194] : memref<16384x2048xf32, #tpu.memory_space<hbm>> -> memref<8x2048xf32, #tpu.memory_space<hbm>>
          %dma_wait3A_196 = arith.constant 0 : i32
          %dma_wait3A_197 = tpu.memref_slice %arg4[%mul3A_2, %dma_wait3A_196] : memref<16384x2048xf32, #tpu.memory_space<hbm>> -> memref<8x2048xf32, #tpu.memory_space<hbm>>
          %dma_wait3A_198 = arith.constant 0 : i32
          %dma_wait3A_199 = arith.constant 0 : i32
          %dma_wait3A_200 = tpu.memref_slice %arg6[%dma_wait3A_189, %dma_wait3A_198, %dma_wait3A_199] : memref<7x8x2048xf32, #tpu.memory_space<vmem>> -> memref<1x8x2048xf32, #tpu.memory_space<vmem>>
          %dma_wait3A_201 = tpu.memref_squeeze %dma_wait3A_200 : memref<1x8x2048xf32, #tpu.memory_space<vmem>> -> memref<8x2048xf32, #tpu.memory_space<vmem>>
          tpu.wait_dma2 semaphore(%arg16 : memref<!tpu.dma_semaphore, #tpu.memory_space<semaphore_mem>>) src(%dma_wait3A_201 : memref<8x2048xf32, #tpu.memory_space<vmem>>) dst(%dma_wait3A_197 : memref<8x2048xf32, #tpu.memory_space<hbm>>)
        } else {
        }
        %lt3A_184 = arith.constant 64 : i32
        %lt3A_185 = arith.cmpi slt, %add3A_178, %lt3A_184 : i32
        %convert_element_type3A_186 = arith.extui %lt3A_185 : i1 to i32
        %cond3A_187 = arith.constant 0 : i32
        %cond3A_188 = arith.cmpi ne, %convert_element_type3A_186, %cond3A_187 : i32
        scf.if %cond3A_188 {
          %mul3A_189 = arith.constant 8 : i32
          %mul3A_190 = arith.muli %add3A_178, %mul3A_189 : i32
          %dma_start3A_191 = arith.constant 2 : i32
          %dma_start3A_192 = arith.constant 0 : i32
          %dma_start3A_193 = arith.constant 0 : i32
          %dma_start3A_194 = tpu.memref_slice %arg6[%dma_start3A_191, %dma_start3A_192, %dma_start3A_193] : memref<7x8x2048xf32, #tpu.memory_space<vmem>> -> memref<1x8x2048xf32, #tpu.memory_space<vmem>>
          %dma_start3A_195 = tpu.memref_squeeze %dma_start3A_194 : memref<1x8x2048xf32, #tpu.memory_space<vmem>> -> memref<8x2048xf32, #tpu.memory_space<vmem>>
          %dma_start3A_196 = tpu.memref_slice %arg5[%mul3A_190] : memref<512xi32, #tpu.memory_space<vmem>> -> memref<8xi32, #tpu.memory_space<vmem>>
          %dma_start3A_197 = arith.constant 0 : i32
          %dma_start3A_198 = arith.constant 0 : i32
          %dma_start3A_199 = tpu.memref_slice %arg2[%dma_start3A_197, %dma_start3A_198] : memref<128256x2048xf32, #tpu.memory_space<hbm>> -> memref<128256x2048xf32, #tpu.memory_space<hbm>>
          tpu.enqueue_indirect_dma source(%dma_start3A_199 : memref<128256x2048xf32, #tpu.memory_space<hbm>>) target(%dma_start3A_195 : memref<8x2048xf32, #tpu.memory_space<vmem>>) offsets(%dma_start3A_196 : memref<8xi32, #tpu.memory_space<vmem>>) semaphore(%arg9 : memref<!tpu.dma_semaphore, #tpu.memory_space<semaphore_mem>>)
        } else {
        }
      } else {
      }
      %mul3A_137 = arith.constant 7 : i32
      %mul3A_138 = arith.muli %scan3A_85, %mul3A_137 : i32
      %add3A_139 = arith.constant 6 : i32
      %add3A_140 = arith.addi %mul3A_138, %add3A_139 : i32
      %lt3A_141 = arith.constant 64 : i32
      %lt3A_142 = arith.cmpi slt, %add3A_140, %lt3A_141 : i32
      %convert_element_type3A_143 = arith.extui %lt3A_142 : i1 to i32
      %cond3A_144 = arith.constant 0 : i32
      %cond3A_145 = arith.cmpi ne, %convert_element_type3A_143, %cond3A_144 : i32
      scf.if %cond3A_145 {
        %dma_wait3A_146 = arith.constant 6 : i32
        %dma_wait3A_147 = arith.constant 0 : i32
        %dma_wait3A_148 = arith.constant 0 : i32
        %dma_wait3A_149 = tpu.memref_slice %arg6[%dma_wait3A_146, %dma_wait3A_147, %dma_wait3A_148] : memref<7x8x2048xf32, #tpu.memory_space<vmem>> -> memref<1x8x2048xf32, #tpu.memory_space<vmem>>
        %dma_wait3A_150 = tpu.memref_squeeze %dma_wait3A_149 : memref<1x8x2048xf32, #tpu.memory_space<vmem>> -> memref<8x2048xf32, #tpu.memory_space<vmem>>
        %dma_wait3A_151 = arith.constant 0 : i32
        %dma_wait3A_152 = arith.constant 0 : i32
        %dma_wait3A_153 = tpu.memref_slice %arg2[%dma_wait3A_151, %dma_wait3A_152] : memref<128256x2048xf32, #tpu.memory_space<hbm>> -> memref<8x2048xf32, #tpu.memory_space<hbm>>
        %dma_wait3A_154 = arith.constant 0 : i32
        %dma_wait3A_155 = arith.constant 0 : i32
        %dma_wait3A_156 = tpu.memref_slice %arg6[%dma_wait3A_146, %dma_wait3A_154, %dma_wait3A_155] : memref<7x8x2048xf32, #tpu.memory_space<vmem>> -> memref<1x8x2048xf32, #tpu.memory_space<vmem>>
        %dma_wait3A_157 = tpu.memref_squeeze %dma_wait3A_156 : memref<1x8x2048xf32, #tpu.memory_space<vmem>> -> memref<8x2048xf32, #tpu.memory_space<vmem>>
        %dma_wait3A_158 = arith.constant 0 : i32
        %dma_wait3A_159 = arith.constant 0 : i32
        %dma_wait3A_160 = tpu.memref_slice %arg2[%dma_wait3A_158, %dma_wait3A_159] : memref<128256x2048xf32, #tpu.memory_space<hbm>> -> memref<8x2048xf32, #tpu.memory_space<hbm>>
        tpu.wait_dma2 semaphore(%arg13 : memref<!tpu.dma_semaphore, #tpu.memory_space<semaphore_mem>>) src(%dma_wait3A_160 : memref<8x2048xf32, #tpu.memory_space<hbm>>) dst(%dma_wait3A_157 : memref<8x2048xf32, #tpu.memory_space<vmem>>)
        %mul3A_161 = arith.constant 8 : i32
        %mul3A_162 = arith.muli %add3A_140, %mul3A_161 : i32
        %add3A_163 = arith.addi %mul3A_2, %mul3A_162 : i32
        %dma_start3A_164 = arith.constant 6 : i32
        %dma_start3A_165 = arith.constant 0 : i32
        %dma_start3A_166 = arith.constant 0 : i32
        %dma_start3A_167 = tpu.memref_slice %arg6[%dma_start3A_164, %dma_start3A_165, %dma_start3A_166] : memref<7x8x2048xf32, #tpu.memory_space<vmem>> -> memref<1x8x2048xf32, #tpu.memory_space<vmem>>
        %dma_start3A_168 = tpu.memref_squeeze %dma_start3A_167 : memref<1x8x2048xf32, #tpu.memory_space<vmem>> -> memref<8x2048xf32, #tpu.memory_space<vmem>>
        %dma_start3A_169 = arith.constant 0 : i32
        %dma_start3A_170 = tpu.memref_slice %arg4[%add3A_163, %dma_start3A_169] : memref<16384x2048xf32, #tpu.memory_space<hbm>> -> memref<8x2048xf32, #tpu.memory_space<hbm>>
        %dma_start3A_171 = arith.constant 0 : i32
        %dma_start3A_172 = tpu.memref_slice %arg4[%add3A_163, %dma_start3A_171] : memref<16384x2048xf32, #tpu.memory_space<hbm>> -> memref<8x2048xf32, #tpu.memory_space<hbm>>
        %dma_start3A_173 = arith.constant 0 : i32
        %dma_start3A_174 = arith.constant 0 : i32
        %dma_start3A_175 = tpu.memref_slice %arg6[%dma_start3A_164, %dma_start3A_173, %dma_start3A_174] : memref<7x8x2048xf32, #tpu.memory_space<vmem>> -> memref<1x8x2048xf32, #tpu.memory_space<vmem>>
        %dma_start3A_176 = tpu.memref_squeeze %dma_start3A_175 : memref<1x8x2048xf32, #tpu.memory_space<vmem>> -> memref<8x2048xf32, #tpu.memory_space<vmem>>
        tpu.enqueue_dma source(%dma_start3A_176 : memref<8x2048xf32, #tpu.memory_space<vmem>>) target(%dma_start3A_172 : memref<8x2048xf32, #tpu.memory_space<hbm>>) target_semaphore(%arg20 : memref<!tpu.dma_semaphore, #tpu.memory_space<semaphore_mem>>)
        %add3A_177 = arith.constant 4 : i32
        %add3A_178 = arith.addi %add3A_140, %add3A_177 : i32
        %sub3A = arith.constant 7 : i32
        %sub3A_179 = arith.subi %add3A_178, %sub3A : i32
        %ge3A = arith.constant 0 : i32
        %ge3A_180 = arith.cmpi sge, %sub3A_179, %ge3A : i32
        %convert_element_type3A_181 = arith.extui %ge3A_180 : i1 to i32
        %cond3A_182 = arith.constant 0 : i32
        %cond3A_183 = arith.cmpi ne, %convert_element_type3A_181, %cond3A_182 : i32
        scf.if %cond3A_183 {
          %dma_wait3A_189 = arith.constant 3 : i32
          %dma_wait3A_190 = arith.constant 0 : i32
          %dma_wait3A_191 = arith.constant 0 : i32
          %dma_wait3A_192 = tpu.memref_slice %arg6[%dma_wait3A_189, %dma_wait3A_190, %dma_wait3A_191] : memref<7x8x2048xf32, #tpu.memory_space<vmem>> -> memref<1x8x2048xf32, #tpu.memory_space<vmem>>
          %dma_wait3A_193 = tpu.memref_squeeze %dma_wait3A_192 : memref<1x8x2048xf32, #tpu.memory_space<vmem>> -> memref<8x2048xf32, #tpu.memory_space<vmem>>
          %dma_wait3A_194 = arith.constant 0 : i32
          %dma_wait3A_195 = tpu.memref_slice %arg4[%mul3A_2, %dma_wait3A_194] : memref<16384x2048xf32, #tpu.memory_space<hbm>> -> memref<8x2048xf32, #tpu.memory_space<hbm>>
          %dma_wait3A_196 = arith.constant 0 : i32
          %dma_wait3A_197 = tpu.memref_slice %arg4[%mul3A_2, %dma_wait3A_196] : memref<16384x2048xf32, #tpu.memory_space<hbm>> -> memref<8x2048xf32, #tpu.memory_space<hbm>>
          %dma_wait3A_198 = arith.constant 0 : i32
          %dma_wait3A_199 = arith.constant 0 : i32
          %dma_wait3A_200 = tpu.memref_slice %arg6[%dma_wait3A_189, %dma_wait3A_198, %dma_wait3A_199] : memref<7x8x2048xf32, #tpu.memory_space<vmem>> -> memref<1x8x2048xf32, #tpu.memory_space<vmem>>
          %dma_wait3A_201 = tpu.memref_squeeze %dma_wait3A_200 : memref<1x8x2048xf32, #tpu.memory_space<vmem>> -> memref<8x2048xf32, #tpu.memory_space<vmem>>
          tpu.wait_dma2 semaphore(%arg17 : memref<!tpu.dma_semaphore, #tpu.memory_space<semaphore_mem>>) src(%dma_wait3A_201 : memref<8x2048xf32, #tpu.memory_space<vmem>>) dst(%dma_wait3A_197 : memref<8x2048xf32, #tpu.memory_space<hbm>>)
        } else {
        }
        %lt3A_184 = arith.constant 64 : i32
        %lt3A_185 = arith.cmpi slt, %add3A_178, %lt3A_184 : i32
        %convert_element_type3A_186 = arith.extui %lt3A_185 : i1 to i32
        %cond3A_187 = arith.constant 0 : i32
        %cond3A_188 = arith.cmpi ne, %convert_element_type3A_186, %cond3A_187 : i32
        scf.if %cond3A_188 {
          %mul3A_189 = arith.constant 8 : i32
          %mul3A_190 = arith.muli %add3A_178, %mul3A_189 : i32
          %dma_start3A_191 = arith.constant 3 : i32
          %dma_start3A_192 = arith.constant 0 : i32
          %dma_start3A_193 = arith.constant 0 : i32
          %dma_start3A_194 = tpu.memref_slice %arg6[%dma_start3A_191, %dma_start3A_192, %dma_start3A_193] : memref<7x8x2048xf32, #tpu.memory_space<vmem>> -> memref<1x8x2048xf32, #tpu.memory_space<vmem>>
          %dma_start3A_195 = tpu.memref_squeeze %dma_start3A_194 : memref<1x8x2048xf32, #tpu.memory_space<vmem>> -> memref<8x2048xf32, #tpu.memory_space<vmem>>
          %dma_start3A_196 = tpu.memref_slice %arg5[%mul3A_190] : memref<512xi32, #tpu.memory_space<vmem>> -> memref<8xi32, #tpu.memory_space<vmem>>
          %dma_start3A_197 = arith.constant 0 : i32
          %dma_start3A_198 = arith.constant 0 : i32
          %dma_start3A_199 = tpu.memref_slice %arg2[%dma_start3A_197, %dma_start3A_198] : memref<128256x2048xf32, #tpu.memory_space<hbm>> -> memref<128256x2048xf32, #tpu.memory_space<hbm>>
          tpu.enqueue_indirect_dma source(%dma_start3A_199 : memref<128256x2048xf32, #tpu.memory_space<hbm>>) target(%dma_start3A_195 : memref<8x2048xf32, #tpu.memory_space<vmem>>) offsets(%dma_start3A_196 : memref<8xi32, #tpu.memory_space<vmem>>) semaphore(%arg10 : memref<!tpu.dma_semaphore, #tpu.memory_space<semaphore_mem>>)
        } else {
        }
      } else {
      }
    }
    %scan3A_46 = arith.constant 10 : i32
    %dma_wait3A = arith.constant 5 : i32
    %dma_wait3A_47 = arith.constant 0 : i32
    %dma_wait3A_48 = arith.constant 0 : i32
    %dma_wait3A_49 = tpu.memref_slice %arg6[%dma_wait3A, %dma_wait3A_47, %dma_wait3A_48] : memref<7x8x2048xf32, #tpu.memory_space<vmem>> -> memref<1x8x2048xf32, #tpu.memory_space<vmem>>
    %dma_wait3A_50 = tpu.memref_squeeze %dma_wait3A_49 : memref<1x8x2048xf32, #tpu.memory_space<vmem>> -> memref<8x2048xf32, #tpu.memory_space<vmem>>
    %dma_wait3A_51 = arith.constant 0 : i32
    %dma_wait3A_52 = tpu.memref_slice %arg4[%mul3A_2, %dma_wait3A_51] : memref<16384x2048xf32, #tpu.memory_space<hbm>> -> memref<8x2048xf32, #tpu.memory_space<hbm>>
    %dma_wait3A_53 = arith.constant 0 : i32
    %dma_wait3A_54 = tpu.memref_slice %arg4[%mul3A_2, %dma_wait3A_53] : memref<16384x2048xf32, #tpu.memory_space<hbm>> -> memref<8x2048xf32, #tpu.memory_space<hbm>>
    %dma_wait3A_55 = arith.constant 0 : i32
    %dma_wait3A_56 = arith.constant 0 : i32
    %dma_wait3A_57 = tpu.memref_slice %arg6[%dma_wait3A, %dma_wait3A_55, %dma_wait3A_56] : memref<7x8x2048xf32, #tpu.memory_space<vmem>> -> memref<1x8x2048xf32, #tpu.memory_space<vmem>>
    %dma_wait3A_58 = tpu.memref_squeeze %dma_wait3A_57 : memref<1x8x2048xf32, #tpu.memory_space<vmem>> -> memref<8x2048xf32, #tpu.memory_space<vmem>>
    tpu.wait_dma2 semaphore(%arg19 : memref<!tpu.dma_semaphore, #tpu.memory_space<semaphore_mem>>) src(%dma_wait3A_58 : memref<8x2048xf32, #tpu.memory_space<vmem>>) dst(%dma_wait3A_54 : memref<8x2048xf32, #tpu.memory_space<hbm>>)
    %dma_wait3A_59 = arith.constant 6 : i32
    %dma_wait3A_60 = arith.constant 0 : i32
    %dma_wait3A_61 = arith.constant 0 : i32
    %dma_wait3A_62 = tpu.memref_slice %arg6[%dma_wait3A_59, %dma_wait3A_60, %dma_wait3A_61] : memref<7x8x2048xf32, #tpu.memory_space<vmem>> -> memref<1x8x2048xf32, #tpu.memory_space<vmem>>
    %dma_wait3A_63 = tpu.memref_squeeze %dma_wait3A_62 : memref<1x8x2048xf32, #tpu.memory_space<vmem>> -> memref<8x2048xf32, #tpu.memory_space<vmem>>
    %dma_wait3A_64 = arith.constant 0 : i32
    %dma_wait3A_65 = tpu.memref_slice %arg4[%mul3A_2, %dma_wait3A_64] : memref<16384x2048xf32, #tpu.memory_space<hbm>> -> memref<8x2048xf32, #tpu.memory_space<hbm>>
    %dma_wait3A_66 = arith.constant 0 : i32
    %dma_wait3A_67 = tpu.memref_slice %arg4[%mul3A_2, %dma_wait3A_66] : memref<16384x2048xf32, #tpu.memory_space<hbm>> -> memref<8x2048xf32, #tpu.memory_space<hbm>>
    %dma_wait3A_68 = arith.constant 0 : i32
    %dma_wait3A_69 = arith.constant 0 : i32
    %dma_wait3A_70 = tpu.memref_slice %arg6[%dma_wait3A_59, %dma_wait3A_68, %dma_wait3A_69] : memref<7x8x2048xf32, #tpu.memory_space<vmem>> -> memref<1x8x2048xf32, #tpu.memory_space<vmem>>
    %dma_wait3A_71 = tpu.memref_squeeze %dma_wait3A_70 : memref<1x8x2048xf32, #tpu.memory_space<vmem>> -> memref<8x2048xf32, #tpu.memory_space<vmem>>
    tpu.wait_dma2 semaphore(%arg20 : memref<!tpu.dma_semaphore, #tpu.memory_space<semaphore_mem>>) src(%dma_wait3A_71 : memref<8x2048xf32, #tpu.memory_space<vmem>>) dst(%dma_wait3A_67 : memref<8x2048xf32, #tpu.memory_space<hbm>>)
    %dma_wait3A_72 = arith.constant 0 : i32
    %dma_wait3A_73 = arith.constant 0 : i32
    %dma_wait3A_74 = arith.constant 0 : i32
    %dma_wait3A_75 = tpu.memref_slice %arg6[%dma_wait3A_72, %dma_wait3A_73, %dma_wait3A_74] : memref<7x8x2048xf32, #tpu.memory_space<vmem>> -> memref<1x8x2048xf32, #tpu.memory_space<vmem>>
    %dma_wait3A_76 = tpu.memref_squeeze %dma_wait3A_75 : memref<1x8x2048xf32, #tpu.memory_space<vmem>> -> memref<8x2048xf32, #tpu.memory_space<vmem>>
    %dma_wait3A_77 = arith.constant 0 : i32
    %dma_wait3A_78 = tpu.memref_slice %arg4[%mul3A_2, %dma_wait3A_77] : memref<16384x2048xf32, #tpu.memory_space<hbm>> -> memref<8x2048xf32, #tpu.memory_space<hbm>>
    %dma_wait3A_79 = arith.constant 0 : i32
    %dma_wait3A_80 = tpu.memref_slice %arg4[%mul3A_2, %dma_wait3A_79] : memref<16384x2048xf32, #tpu.memory_space<hbm>> -> memref<8x2048xf32, #tpu.memory_space<hbm>>
    %dma_wait3A_81 = arith.constant 0 : i32
    %dma_wait3A_82 = arith.constant 0 : i32
    %dma_wait3A_83 = tpu.memref_slice %arg6[%dma_wait3A_72, %dma_wait3A_81, %dma_wait3A_82] : memref<7x8x2048xf32, #tpu.memory_space<vmem>> -> memref<1x8x2048xf32, #tpu.memory_space<vmem>>
    %dma_wait3A_84 = tpu.memref_squeeze %dma_wait3A_83 : memref<1x8x2048xf32, #tpu.memory_space<vmem>> -> memref<8x2048xf32, #tpu.memory_space<vmem>>
    tpu.wait_dma2 semaphore(%arg14 : memref<!tpu.dma_semaphore, #tpu.memory_space<semaphore_mem>>) src(%dma_wait3A_84 : memref<8x2048xf32, #tpu.memory_space<vmem>>) dst(%dma_wait3A_80 : memref<8x2048xf32, #tpu.memory_space<hbm>>)
    return
  }
}

</mosaic_0001>

<sc_bundles>
// kernel: kernel.3.cloned.1.call-start
scs
__scs_entry_jumppad:
0x0: {  	(pc) =	sbr.rel $0x88, $3  }
0x1: {  	(tag) =	ssettag $0x0;
	lr =	simm.s32 $0x1  }
0x2: {  	[smem:$0x3F9F] =	sst lr;
	_ =	strace $0xD0000000  }
0x3: {  	_ = 	snop  }
0x4: {  	_ = 	snop  }
0x5: {  	_ = 	snop  }
0x6: {  	_ = 	snop  }
0x7: {  	_ = 	snop  }
__scs_overlays_trampoline_lowered:
0x8: {  	[smem:$0x3FAE] =	sst s0  }
0x9: {  	[smem:$0x3FAF] =	sst s1  }
0xa: {  	[smem:$0x3FB0] =	sst s2  }
0xb: {  	[smem:$0x3FB1] =	sst s3  }
0xc: {  	[smem:$0x3FB2] =	sst s4  }
0xd: {  	[smem:$0x3FB3] =	sst s5  }
0xe: {  	[smem:$0x3FB4] =	sst s6  }
0xf: {  	[smem:$0x3FB5] =	sst s7  }
0x10: {  	[smem:$0x3FB6] =	sst s8  }
0x11: {  	[smem:$0x3FB7] =	sst s9;
	s0 =	simm.s32 @!p0 $0x0  }
0x12: {  	s1 =	sld [smem:$0x3F9D];
	s0 =	simm.s32 @p0 $0x1  }
0x13: {  	[smem:$0x3FB8] =	sst s0;
	s0 =	simm.s32 @!p1 $0x0  }
0x14: {  	s2 =	sld [smem:$0x3F9C];
	s0 =	simm.s32 @p1 $0x1  }
0x15: {  	[smem:$0x3FB9] =	sst s0;
	s0 =	simm.s32 @!p2 $0x0  }
0x16: {  	s3 =	sld [smem:$0x3FDB];
	s0 =	simm.s32 @p2 $0x1  }
0x17: {  	s4 =	simm.s32 $0x1BF5;
	[smem:$0x3FBB] =	sst s0  }
0x18: {  	s0 =	sld [smem:$0x3F9E];
	_ =	swait.ge [sflag:s4], $0x0  }
0x19: {  	s7 =	sld [smem:$0x3F9F]  }
0x1a: {  	s8 =	sadd.s32 $0xFFFFE003, lr  }
0x1b: {  	s9 =	sadd.s32 $0xFFFFFEF7, lr;
	s5 =	simm.s32 $0xFFFFFFFF;
	p2 =	slt.u32 s8, $0xFFFFF086  }
0x1c: {  	p1 =	slt.u32 s9, $0xF7A;
	s5 =	simm.s32 @!p2 $0x0  }
0x1d: {  	s5 =	simm.s32 @p1 $0x1;
	p0 =	seq.s32 s7, s2  }
0x1e: {  	s7 =	smul.u32 @!p0 $0xF7A, s2;
	p2 =	seq.s32 @!p0 s5, $0x0  }
0x1f: {  	s9 =	smul.u32 $0xF7A, s1;
	s8 =	simm.s32 @!p0 $0x1BF5;
	p2 =	por !p2, p0  }
0x20: {  	[sflag:s8] =	ssyncset.s32 @!p0 $0xFFFFF086;
	s6 =	sadd.s32 @!p0 s3, s7;
	s7 =	simm.s32 @!p0 $0x108  }
0x21: {  	s3 =	sadd.s32 s3, s9;
	s6 =	sadd.s32 @!p0 $0x88, s6;
	s7 =	simm.s32 @p2 $0x1082  }
0x22: {  	[simem:s7], [sflag:s8] =	dma.local @!p0 [hbm:s6], $0xF7A  }
0x23: {  	s9 =	sor.u32 $0xD0000000, s2;
	s6 =	simm.s32 $0x108;
	_ =	swait.ge @!p0 [sflag:s8], $0x0  }
0x24: {  	s3 =	sadd.s32 $0x88, s3;
	s6 =	simm.s32 @!p1 $0x1082;
	[sflag:s4] =	ssyncset.s32 $0xFFFFF086  }
0x25: {  	[simem:s6], [sflag:s4] =	dma.local [hbm:s3], $0xF7A  }
0x26: {  	[smem:$0x3F9F] =	sst s1;
	(tag) =	ssettag s2;
	_ =	strace s9  }
0x27: {  	s1 =	sld [smem:$0x3FAF]  }
0x28: {  	s2 =	sld [smem:$0x3FB0]  }
0x29: {  	s4 =	sld [smem:$0x3FB2]  }
0x2a: {  	p0 =	seq.s32 s5, $0x0;
	s5 =	sld [smem:$0x3FB3]  }
0x2b: {  	s6 =	sld [smem:$0x3FB4]  }
0x2c: {  	s7 =	sld [smem:$0x3FB5]  }
0x2d: {  	s3 =	simm.s32 $0x108;
	s8 =	sld [smem:$0x3FB6]  }
0x2e: {  	s3 =	simm.s32 @!p0 $0x1082;
	s9 =	sld [smem:$0x3FB7]  }
0x2f: {  	lr =	sadd.s32 s0, s3;
	s0 =	sld [smem:$0x3FAE]  }
0x30: {  	s3 =	sld [smem:$0x3FB1]  }
0x31: {  	[smem:$0x3FBA] =	sst s10  }
0x32: {  	s10 =	sld [smem:$0x3FB8];
	_ =	sdelay $0x3  }
0x33: {  	p0 =	seq.s32 s10, $0x1;
	s10 =	sld [smem:$0x3FBA];
	_ =	sdelay $0x3  }
0x34: {  	[smem:$0x3FBA] =	sst s10  }
0x35: {  	s10 =	sld [smem:$0x3FB9];
	_ =	sdelay $0x3  }
0x36: {  	p1 =	seq.s32 s10, $0x1;
	s10 =	sld [smem:$0x3FBA];
	_ =	sdelay $0x3  }
0x37: {  	[smem:$0x3FBA] =	sst s10  }
0x38: {  	s10 =	sld [smem:$0x3FBB]  }
0x39: {  	_ = 	snop;
	(pc) =	sbr.ind lr, $3  }
0x3a: {  	_ = 	snop  }
0x3b: {  	_ = 	snop  }
0x3c: {  	p2 =	seq.s32 s10, $0x1;
	s10 =	sld [smem:$0x3FBA]  }
0x3d: {  	_ =	shalt  }
0x3e: {  	_ =	shalt  }
0x3f: {  	_ =	shalt  }
0x40: {  	_ =	shalt  }
0x41: {  	_ =	shalt  }
0x42: {  	_ =	shalt  }
0x43: {  	_ =	shalt  }
0x44: {  	_ =	shalt  }
0x45: {  	_ =	shalt  }
0x46: {  	_ =	shalt  }
0x47: {  	_ =	shalt  }
0x48: {  	_ =	shalt  }
0x49: {  	_ =	shalt  }
0x4a: {  	_ =	shalt  }
0x4b: {  	_ =	shalt  }
0x4c: {  	_ =	shalt  }
0x4d: {  	_ =	shalt  }
0x4e: {  	_ =	shalt  }
0x4f: {  	_ =	shalt  }
0x50: {  	_ =	shalt  }
0x51: {  	_ =	shalt  }
0x52: {  	_ =	shalt  }
0x53: {  	_ =	shalt  }
0x54: {  	_ =	shalt  }
0x55: {  	_ =	shalt  }
0x56: {  	_ =	shalt  }
0x57: {  	_ =	shalt  }
0x58: {  	_ =	shalt  }
0x59: {  	_ =	shalt  }
0x5a: {  	_ =	shalt  }
0x5b: {  	_ =	shalt  }
0x5c: {  	_ =	shalt  }
0x5d: {  	_ =	shalt  }
0x5e: {  	_ =	shalt  }
0x5f: {  	_ =	shalt  }
0x60: {  	_ =	shalt  }
0x61: {  	_ =	shalt  }
0x62: {  	_ =	shalt  }
0x63: {  	_ =	shalt  }
0x64: {  	_ =	shalt  }
0x65: {  	_ =	shalt  }
0x66: {  	_ =	shalt  }
0x67: {  	_ =	shalt  }
0x68: {  	_ =	shalt  }
0x69: {  	_ =	shalt  }
0x6a: {  	_ =	shalt  }
0x6b: {  	_ =	shalt  }
0x6c: {  	_ =	shalt  }
0x6d: {  	_ =	shalt  }
0x6e: {  	_ =	shalt  }
0x6f: {  	_ =	shalt  }
0x70: {  	_ =	shalt  }
0x71: {  	_ =	shalt  }
0x72: {  	_ =	shalt  }
0x73: {  	_ =	shalt  }
0x74: {  	_ =	shalt  }
0x75: {  	_ =	shalt  }
0x76: {  	_ =	shalt  }
0x77: {  	_ =	shalt  }
0x78: {  	_ =	shalt  }
0x79: {  	_ =	shalt  }
0x7a: {  	_ =	shalt  }
0x7b: {  	_ =	shalt  }
0x7c: {  	_ =	shalt  }
0x7d: {  	_ =	shalt  }
0x7e: {  	_ =	shalt  }
0x7f: {  	_ =	shalt  }
0x80: {  	_ =	shalt  }
0x81: {  	_ =	shalt  }
0x82: {  	_ =	shalt  }
0x83: {  	_ =	shalt  }
0x84: {  	_ =	shalt  }
0x85: {  	_ =	shalt  }
0x86: {  	_ =	shalt  }
0x87: {  	_ =	shalt  }
.Lfunc_end0:
.L_simem_size_0:
called_computation_lowered:
.L_overlay_start_0:
0x88: {  	s2 =	sld [smem:$0x3FD9]  }
0x89: {  	s3 =	sld [smem:$0x3FFE];
	_ =	sdelay $0x1  }
0x8a: {  	s1 =	srdreg.scid  }
0x8b: {  	s0 =	sand.u32 $0x1, s1  }
0x8c: {  	s17 =	sshll.u32 s0, $0xA;
	s2 =	sadd.s32 s3, s2  }
0x8d: {  	s2 =	sadd.s32 s2, s17  }
0x8e: {  	[smem:$0x3FC6] =	sst s2  }
0x8f: {  	_ = 	snop  }
0x90: {  	s2 =	sld [smem:$0x3FC8]  }
0x91: {  	s18 =	sld [smem:$0x3FD0];
	(tm) =	ssettm $0x1  }
0x92: {  	s4 =	sld [smem:$0x3FFB];
	_ =	sdelay $0x3  }
0x93: {  	_ =	strace s4  }
0x94: {  	s4 =	sld [smem:$0x3FFC];
	_ =	sdelay $0x3  }
0x95: {  	_ =	strace s4  }
0x96: {  	s4 =	sld [smem:$0x3FFD];
	_ =	sdelay $0x3  }
0x97: {  	_ =	strace s4  }
0x98: {  	_ =	strace $0x8FFFFFFF  }
0x99: {  	s19 =	sld [smem:$0x3FDB];
	_ =	sdelay $0x1  }
0x9a: {  	s5 =	simm.s32 $_scs_section_size  }
0x9b: {  	s6 =	simm.s32 $_size__tile_overlayer_lowered;
	s7 =	simm.s32 $_tile_overlayer_lowered  }
0x9c: {  	s22 =	simm.s32 $0x1BFF;
	s21 =	sshll.u32 s7, $0x1;
	s4 =	sadd.s32 s5, s19  }
0x9d: {  	s8 =	simm.s32 $0x0;
	s20 =	sshll.u32 s6, $0x1;
	s6 =	sadd.s32 s21, s4  }
0x9e: {  	[timem:s8], [sflag:s22] =	dma.local [hbm:s6], s20  }
0x9f: {  	_ =	swait.ge [sflag:s22], s20  }
0xa0: {  	s5 =	ssub.s32 $0x0, s20;
	[sflag:s22] =	ssyncset.done $0x0  }
0xa1: {  	[sflag:s22] =	ssyncadd.s32 s5;
	_ =	sdelay $0x1  }
0xa2: {  	s23 =	simm.s32 $0x1B8B  }
0xa3: {  	_ =	swait.ge [sflag:s23], $0x1  }
0xa4: {  	[sflag:s23] =	ssyncset.done $0x0  }
0xa5: {  	s25 =	simm.s32 $0x1B8E;
	s24 =	sld [smem:$0x3FFE];
	[sflag:s23] =	ssyncadd.s32 $0xFFFFFFFF  }
0xa6: {  	s26 =	simm.s32 $execute0_lowered;
	[smem:$0x3FD2] =	sst s25  }
0xa7: {  	s6 =	sshll.u32 s26, $0x1;
	_ =	strace $0x80000046;
	[dreg:$0x1] =	wrdreg $0xFFFFFFFF  }
0xa8: {  	s28 =	simm.s32 $_size_execute0_lowered;
	s4 =	sadd.s32 s4, s6;
	[dreg:$0x0] =	wrdreg $0x0  }
0xa9: {  	s6 =	sshll.u32 s28, $0x1;
	[dreg:$0x2] =	wrdreg s4  }
0xaa: {  	[dreg:$0x3] =	wrdreg s6  }
0xab: {  	[dreg:$0x4] =	wrdreg $0xC0  }
0xac: {  	_ =	task [dreg:s8], $0x5FFFF  }
0xad: {  	[dreg:$0x1] =	wrdreg $0xFFFFFFFF  }
0xae: {  	[dreg:$0x0] =	wrdreg $0x60  }
0xaf: {  	[dreg:$0x2] =	wrdreg s2  }
0xb0: {  	[dreg:$0x3] =	wrdreg s24  }
0xb1: {  	[dreg:$0x4] =	wrdreg s18  }
0xb2: {  	[dreg:$0x5] =	wrdreg $0x9  }
0xb3: {  	_ =	task.clear_ibuf [dreg:s8], $0x6FFFF;
	_ =	strace $0x90000046  }
0xb4: {  	s29 =	simm.s32 $0x9;
	_ =	strace $0x80000048  }
0xb5: {  	_ =	swait.ge [sflag:s29], $0x1  }
0xb6: {  	[sflag:s29] =	ssyncadd.s32 $0xFFFFFFFF  }
0xb7: {  	_ =	strace $0x90000048  }
0xb8: {  	_ =	sfence  }
0xb9: {  	s30 =	sld [smem:$0x0];
	_ =	sdelay $0x2  }
0xba: {  	s31 =	sshll.u32 s1, $0xD;
	s1 =	sshrl.u32 s1, $0x2  }
0xbb: {  	s3 =	sand.u32 $0x4000, s31;
	s1 =	sadd.s32 s1, s30  }
0xbc: {  	s0 =	sor.u32 s3, s0;
	s1 =	sshll.u32 s1, $0x11  }
0xbd: {  	s0 =	sor.u32 s1, s0  }
0xbe: {  	s0 =	sadd.s32 $0x8F2B, s0  }
0xbf: {  	[sflag:s0] =	ssyncadd.remote.s32 $0x1  }
0xc0: {  	_ =	sfence.sel $0xFFFF  }
0xc1: {  	[dreg:$0x0] =	wrdreg $0xFFFFFFFF;
	(pc) =	sbr.abs _section_cstart, $3  }
0xc2: {  	[dreg:$0x1] =	wrdreg $0xFFFFFFFF  }
0xc3: {  	_ =	task.clear_ibuf [dreg:s8], $0x2FFFF;
	_ =	strace $0x9FFFFFFF  }
0xc4: {  	(tm) =	ssettm $0x7FFFFFFF  }
0xc5: {  	_ =	shalt  }
tec
execute0_lowered:
.L_overlay_start_1:
0x0: {  	(tag) =	ssettag $0x1  }
0x1: {  	s1 =	rddreg [dreg:$0x0];
	s0 =	srdreg.scid  }
0x2: {  	s2 =	rddreg [dreg:$0x1];
	s11 =	stileid.u32  }
0x3: {  	s4 =	rddreg [dreg:$0x2];
	s3 =	simm.s32 $0x0;
	s16 =	simm.s32 $0x200  }
0x4: {  	s28 =	simm.s32 $0x1;
	s31 =	simm.s32 $0x8;
	s18 =	simm.s32 $0x2  }
0x5: {  	s19 =	simm.s32 $0x14200;
	s22 =	simm.s32 $0x4;
	s23 =	simm.s32 $0x5  }
0x6: {  	s15 =	simm.s32 $0x7;
	s29 =	simm.s32 $0xB;
	s17 =	simm.s32 $0x0  }
0x7: {  	s0 =	sand.u32 $0x1, s0;
	s5 =	sshll.u32 s11, $0xA;
	[smem:$0x7FF] =	sst s3  }
0x8: {  	s7 =	sadd.s32 $0x300, s1;
	s8 =	sadd.s32 $0x400, s1;
	s9 =	sadd.s32 $0x500, s1  }
0x9: {  	s10 =	sadd.s32 $0x600, s1;
	s26 =	sshll.u32 s11, $0x12;
	s11 =	sadd.s32 $0x700, s1  }
0xa: {  	s6 =	sshll.u32 s0, $0x9;
	s24 =	ssub.s32 $0x2, s0;
	_ =	strace $0x80000047  }
0xb: {  	s0 =	sshll.u32 s0, $0x11;
	s12 =	sor.u32 s6, s5;
	s25 =	sshrl.u32 s24, $0x1  }
0xc: {  	s6 =	sadd.s32 $0x200, s1;
	s5 =	sshrl.u32 s12, $0x3;
	s13 =	ssub.s32 s24, s25  }
0xd: {  	s30 =	sshll.u32 s12, $0x8;
	s12 =	simm.s32 $0x18200;
	s24 =	simm.s32 $0x9  }
.Ltmp0:
0xe: {  	s2 =	sadd.s32 s5, s2;
	s13 =	smax.u32 s13, $0x1;
	(pc) =	sbr.rel .LBB2_1-.Ltmp0, $4  }
0xf: {  	s5 =	sadd.s32 $0x100, s1;
	s2 =	sadd.s32 $0x400, s2;
	[dreg:$0x5] =	wrdreg s13  }
0x10: {  	v0 =	vlaneseq.u32;
	[dreg:$0x4] =	wrdreg s2;
	s2 =	sadd.s32 s26, s4;
	s26 =	simm.s32 $0x6  }
0x11: {  	v1 =	vshrl.u32 v0, $0x3;
	s13 =	sadd.s32 s0, s2;
	s0 =	sadd.s32 s30, s4;
	s2 =	simm.s32 $0x10200  }
0x12: {  	vm0 =	vmmov $0xffff;
	v0 =	vand.u32 $0x7, v0;
	v1 =	vmul.u32 $0x8, v1;
	s4 =	simm.s32 $0xA;
	[dreg:$0x6] =	wrdreg s0;
	s0 =	simm.s32 $0x3  }
.LBB2_4:
0x13: {  	s14 =	simm.s32 $0xD  }
0x14: {  	_ =	swait.ge [sflag:s14], $0x4000  }
0x15: {  	[sflag:s14] =	ssyncset.done $0x0  }
0x16: {  	s25 =	simm.s32 $0xE;
	[sflag:s14] =	ssyncadd.s32 $0xFFFFC000  }
0x17: {  	_ =	swait.ge [sflag:s25], $0x4000  }
0x18: {  	[sflag:s25] =	ssyncset.done $0x0  }
0x19: {  	[sflag:s25] =	ssyncadd.s32 $0xFFFFC000  }
0x1a: {  	_ =	swait.ge [sflag:s31], $0x4000  }
0x1b: {  	s17 =	rddreg [dreg:$0x7]  }
0x1c: {  	s30 =	rddreg [dreg:$0x5];
	s17 =	sadd.s32 $0x1, s17  }
0x1d: {  	p0 =	sne.s32 s17, s30  }
.Ltmp1:
0x1e: {  	_ = 	snop;
	(pc) =	sbr.rel @!p0 .LBB2_5-.Ltmp1, $3  }
0x1f: {  	_ =	sdelay $0x1  }
0x20: {  	[sflag:s31] =	ssyncset.done $0x0  }
0x21: {  	[sflag:s31] =	ssyncadd.s32 $0xFFFFC000  }
.LBB2_1:
0x22: {  	[dreg:$0x7] =	wrdreg s17  }
0x23: {  	s14 =	rddreg [dreg:$0x4];
	s17 =	simm.s32 $0xF  }
0x24: {  	[tilespmem:s3], [sflag:$0xF] =	stream.linear.gather [hbm4b:s14+s3], $0x200, $0x38;
	[tilespmem:$0x1C200] =	vst v63  }
0x25: {  	_ =	swait.ge [sflag:s17], $0x200  }
0x26: {  	[sflag:s17] =	ssyncset.done $0x0  }
0x27: {  	[sflag:s17] =	ssyncadd.s32 $0xFFFFFE00  }
0x28: {  	v2 =	vld.msk [tilespmem:$0x0], $0xff;
	_ =	sdelay $0x4  }
0x29: {  	v3 =	vshll.u32 v2, $0x4  }
0x2a: {  	v2 =	vand.u32 $0x7, v2;
	v3 =	vand.u32 $0xFFFFFF80, v3  }
0x2b: {  	v2 =	vor.u32 v2, v3  }
0x2c: {  	v2 =	vperm.xlane v2, v0;
	_ =	sdelay $0x1  }
0x2d: {  	v2 =	vadd.s32 v1, v2;
	_ =	sdelay $0x4  }
0x2e: {  	[tilespmem:s16], [sflag:$0x1] =	stream.indirect_vreg.gather [hbm4b:s1+s3], $0x80, v2, vm0, $0xb8;
	[tilespmem:$0x1C200] =	vst v63  }
0x2f: {  	s20 =	simm.s32 $0xA00  }
0x30: {  	[tilespmem:s20], [sflag:$0x1] =	stream.indirect_vreg.gather [hbm4b:s5+s3], $0x80, v2, vm0, $0xb8;
	[tilespmem:$0x1C200] =	vst v63  }
0x31: {  	s21 =	simm.s32 $0x1200  }
0x32: {  	[tilespmem:s21], [sflag:$0x1] =	stream.indirect_vreg.gather [hbm4b:s6+s3], $0x80, v2, vm0, $0xb8;
	[tilespmem:$0x1C200] =	vst v63  }
0x33: {  	s25 =	simm.s32 $0x1A00  }
0x34: {  	[tilespmem:s25], [sflag:$0x1] =	stream.indirect_vreg.gather [hbm4b:s7+s3], $0x80, v2, vm0, $0xb8;
	[tilespmem:$0x1C200] =	vst v63  }
0x35: {  	s17 =	simm.s32 $0x2200  }
0x36: {  	[tilespmem:s17], [sflag:$0x1] =	stream.indirect_vreg.gather [hbm4b:s8+s3], $0x80, v2, vm0, $0xb8;
	[tilespmem:$0x1C200] =	vst v63  }
0x37: {  	s20 =	simm.s32 $0x2A00  }
0x38: {  	[tilespmem:s20], [sflag:$0x1] =	stream.indirect_vreg.gather [hbm4b:s9+s3], $0x80, v2, vm0, $0xb8;
	[tilespmem:$0x1C200] =	vst v63  }
0x39: {  	s21 =	simm.s32 $0x3200  }
0x3a: {  	[tilespmem:s21], [sflag:$0x1] =	stream.indirect_vreg.gather [hbm4b:s10+s3], $0x80, v2, vm0, $0xb8;
	[tilespmem:$0x1C200] =	vst v63  }
0x3b: {  	s25 =	simm.s32 $0x3A00  }
0x3c: {  	[tilespmem:s25], [sflag:$0x1] =	stream.indirect_vreg.gather [hbm4b:s11+s3], $0x80, v2, vm0, $0xb8;
	[tilespmem:$0x1C200] =	vst v63  }
0x3d: {  	v2 =	vld.msk [tilespmem:$0x8], $0xff;
	_ =	sdelay $0x4  }
0x3e: {  	v3 =	vshll.u32 v2, $0x4  }
0x3f: {  	v2 =	vand.u32 $0x7, v2;
	v3 =	vand.u32 $0xFFFFFF80, v3  }
0x40: {  	v2 =	vor.u32 v2, v3  }
0x41: {  	v2 =	vperm.xlane v2, v0;
	_ =	sdelay $0x1  }
0x42: {  	v2 =	vadd.s32 v1, v2;
	_ =	sdelay $0x3  }
0x43: {  	s17 =	simm.s32 $0x4200  }
0x44: {  	[tilespmem:s17], [sflag:$0x2] =	stream.indirect_vreg.gather [hbm4b:s1+s3], $0x80, v2, vm0, $0xb8;
	[tilespmem:$0x1C200] =	vst v63  }
0x45: {  	s20 =	simm.s32 $0x4A00  }
0x46: {  	[tilespmem:s20], [sflag:$0x2] =	stream.indirect_vreg.gather [hbm4b:s5+s3], $0x80, v2, vm0, $0xb8;
	[tilespmem:$0x1C200] =	vst v63  }
0x47: {  	s21 =	simm.s32 $0x5200  }
0x48: {  	[tilespmem:s21], [sflag:$0x2] =	stream.indirect_vreg.gather [hbm4b:s6+s3], $0x80, v2, vm0, $0xb8;
	[tilespmem:$0x1C200] =	vst v63  }
0x49: {  	s25 =	simm.s32 $0x5A00  }
0x4a: {  	[tilespmem:s25], [sflag:$0x2] =	stream.indirect_vreg.gather [hbm4b:s7+s3], $0x80, v2, vm0, $0xb8;
	[tilespmem:$0x1C200] =	vst v63  }
0x4b: {  	s17 =	simm.s32 $0x6200  }
0x4c: {  	[tilespmem:s17], [sflag:$0x2] =	stream.indirect_vreg.gather [hbm4b:s8+s3], $0x80, v2, vm0, $0xb8;
	[tilespmem:$0x1C200] =	vst v63  }
0x4d: {  	s20 =	simm.s32 $0x6A00  }
0x4e: {  	[tilespmem:s20], [sflag:$0x2] =	stream.indirect_vreg.gather [hbm4b:s9+s3], $0x80, v2, vm0, $0xb8;
	[tilespmem:$0x1C200] =	vst v63  }
0x4f: {  	s21 =	simm.s32 $0x7200  }
0x50: {  	[tilespmem:s21], [sflag:$0x2] =	stream.indirect_vreg.gather [hbm4b:s10+s3], $0x80, v2, vm0, $0xb8;
	[tilespmem:$0x1C200] =	vst v63  }
0x51: {  	s25 =	simm.s32 $0x7A00  }
0x52: {  	[tilespmem:s25], [sflag:$0x2] =	stream.indirect_vreg.gather [hbm4b:s11+s3], $0x80, v2, vm0, $0xb8;
	[tilespmem:$0x1C200] =	vst v63  }
0x53: {  	v2 =	vld.msk [tilespmem:$0x10], $0xff;
	_ =	sdelay $0x4  }
0x54: {  	v3 =	vshll.u32 v2, $0x4  }
0x55: {  	v2 =	vand.u32 $0x7, v2;
	v3 =	vand.u32 $0xFFFFFF80, v3  }
0x56: {  	v2 =	vor.u32 v2, v3  }
0x57: {  	v2 =	vperm.xlane v2, v0;
	_ =	sdelay $0x1  }
0x58: {  	v2 =	vadd.s32 v1, v2;
	_ =	sdelay $0x3  }
0x59: {  	s17 =	simm.s32 $0x8200  }
0x5a: {  	[tilespmem:s17], [sflag:$0x3] =	stream.indirect_vreg.gather [hbm4b:s1+s3], $0x80, v2, vm0, $0xb8;
	[tilespmem:$0x1C200] =	vst v63  }
0x5b: {  	s20 =	simm.s32 $0x8A00  }
0x5c: {  	[tilespmem:s20], [sflag:$0x3] =	stream.indirect_vreg.gather [hbm4b:s5+s3], $0x80, v2, vm0, $0xb8;
	[tilespmem:$0x1C200] =	vst v63  }
0x5d: {  	s21 =	simm.s32 $0x9200  }
0x5e: {  	[tilespmem:s21], [sflag:$0x3] =	stream.indirect_vreg.gather [hbm4b:s6+s3], $0x80, v2, vm0, $0xb8;
	[tilespmem:$0x1C200] =	vst v63  }
0x5f: {  	s25 =	simm.s32 $0x9A00  }
0x60: {  	[tilespmem:s25], [sflag:$0x3] =	stream.indirect_vreg.gather [hbm4b:s7+s3], $0x80, v2, vm0, $0xb8;
	[tilespmem:$0x1C200] =	vst v63  }
0x61: {  	s17 =	simm.s32 $0xA200  }
0x62: {  	[tilespmem:s17], [sflag:$0x3] =	stream.indirect_vreg.gather [hbm4b:s8+s3], $0x80, v2, vm0, $0xb8;
	[tilespmem:$0x1C200] =	vst v63  }
0x63: {  	s20 =	simm.s32 $0xAA00  }
0x64: {  	[tilespmem:s20], [sflag:$0x3] =	stream.indirect_vreg.gather [hbm4b:s9+s3], $0x80, v2, vm0, $0xb8;
	[tilespmem:$0x1C200] =	vst v63  }
0x65: {  	s21 =	simm.s32 $0xB200  }
0x66: {  	[tilespmem:s21], [sflag:$0x3] =	stream.indirect_vreg.gather [hbm4b:s10+s3], $0x80, v2, vm0, $0xb8;
	[tilespmem:$0x1C200] =	vst v63  }
0x67: {  	s25 =	simm.s32 $0xBA00  }
0x68: {  	[tilespmem:s25], [sflag:$0x3] =	stream.indirect_vreg.gather [hbm4b:s11+s3], $0x80, v2, vm0, $0xb8;
	[tilespmem:$0x1C200] =	vst v63  }
0x69: {  	v2 =	vld.msk [tilespmem:$0x18], $0xff;
	_ =	sdelay $0x4  }
0x6a: {  	v3 =	vshll.u32 v2, $0x4  }
0x6b: {  	v2 =	vand.u32 $0x7, v2;
	v3 =	vand.u32 $0xFFFFFF80, v3  }
0x6c: {  	v2 =	vor.u32 v2, v3  }
0x6d: {  	v2 =	vperm.xlane v2, v0;
	_ =	sdelay $0x1  }
0x6e: {  	v2 =	vadd.s32 v1, v2;
	_ =	sdelay $0x3  }
0x6f: {  	s17 =	simm.s32 $0xC200  }
0x70: {  	[tilespmem:s17], [sflag:$0x4] =	stream.indirect_vreg.gather [hbm4b:s1+s3], $0x80, v2, vm0, $0xb8;
	[tilespmem:$0x1C200] =	vst v63  }
0x71: {  	s20 =	simm.s32 $0xCA00  }
0x72: {  	[tilespmem:s20], [sflag:$0x4] =	stream.indirect_vreg.gather [hbm4b:s5+s3], $0x80, v2, vm0, $0xb8;
	[tilespmem:$0x1C200] =	vst v63  }
0x73: {  	s21 =	simm.s32 $0xD200  }
0x74: {  	[tilespmem:s21], [sflag:$0x4] =	stream.indirect_vreg.gather [hbm4b:s6+s3], $0x80, v2, vm0, $0xb8;
	[tilespmem:$0x1C200] =	vst v63  }
0x75: {  	s25 =	simm.s32 $0xDA00  }
0x76: {  	[tilespmem:s25], [sflag:$0x4] =	stream.indirect_vreg.gather [hbm4b:s7+s3], $0x80, v2, vm0, $0xb8;
	[tilespmem:$0x1C200] =	vst v63  }
0x77: {  	s17 =	simm.s32 $0xE200  }
0x78: {  	[tilespmem:s17], [sflag:$0x4] =	stream.indirect_vreg.gather [hbm4b:s8+s3], $0x80, v2, vm0, $0xb8;
	[tilespmem:$0x1C200] =	vst v63  }
0x79: {  	s20 =	simm.s32 $0xEA00  }
0x7a: {  	[tilespmem:s20], [sflag:$0x4] =	stream.indirect_vreg.gather [hbm4b:s9+s3], $0x80, v2, vm0, $0xb8;
	[tilespmem:$0x1C200] =	vst v63  }
0x7b: {  	s21 =	simm.s32 $0xF200  }
0x7c: {  	[tilespmem:s21], [sflag:$0x4] =	stream.indirect_vreg.gather [hbm4b:s10+s3], $0x80, v2, vm0, $0xb8;
	[tilespmem:$0x1C200] =	vst v63  }
0x7d: {  	s25 =	simm.s32 $0xFA00  }
0x7e: {  	[tilespmem:s25], [sflag:$0x4] =	stream.indirect_vreg.gather [hbm4b:s11+s3], $0x80, v2, vm0, $0xb8;
	[tilespmem:$0x1C200] =	vst v63  }
0x7f: {  	s30 =	simm.s32 $0x50;
	s17 =	simm.s32 $0x0;
	s25 =	simm.s32 $0x0  }
.LBB2_2:
0x80: {  	_ =	swait.ge [sflag:s28], $0x4000;
	p0 =	seq.s32 s17, $0x0  }
0x81: {  	[sflag:s28] =	ssyncset.done $0x0;
	p1 =	seq.s32 @!p0 s17, $0x1F800  }
0x82: {  	s20 =	sadd.s32 s17, s13;
	[sflag:s28] =	ssyncadd.s32 $0xFFFFC000;
	p1 =	por p0, !p1  }
0x83: {  	[hbm4b:s20+s3] =	stream.linear.scatter [tilespmem:s16], [sflag:$0x8], $0x4000, $0x38;
	[tilespmem:$0x1C200] =	vst v63  }
.Ltmp2:
0x84: {  	_ = 	snop;
	(pc) =	sbr.rel @!p1 .LBB2_4-.Ltmp2, $4  }
0x85: {  	s20 =	simm.s32 @!p0 $0xC  }
0x86: {  	_ =	swait.ge @!p0 [sflag:s20], $0x4000  }
0x87: {  	[sflag:s20] =	ssyncset.done @!p0 $0x0  }
0x88: {  	[sflag:s20] =	ssyncadd.s32 @!p0 $0xFFFFC000  }
0x89: {  	v2 =	vld.msk [tilespmem:s30+$0xFFFFFFD0], $0xff;
	_ =	sdelay $0x4  }
0x8a: {  	v3 =	vshll.u32 v2, $0x4  }
0x8b: {  	v2 =	vand.u32 $0x7, v2;
	v3 =	vand.u32 $0xFFFFFF80, v3  }
0x8c: {  	v2 =	vor.u32 v2, v3  }
0x8d: {  	v2 =	vperm.xlane v2, v0;
	_ =	sdelay $0x1  }
0x8e: {  	v2 =	vadd.s32 v1, v2;
	_ =	sdelay $0x4  }
0x8f: {  	[tilespmem:s2], [sflag:$0x5] =	stream.indirect_vreg.gather [hbm4b:s1+s3], $0x80, v2, vm0, $0xb8;
	[tilespmem:$0x1C200] =	vst v63  }
0x90: {  	s14 =	simm.s32 $0x10A00  }
0x91: {  	[tilespmem:s14], [sflag:$0x5] =	stream.indirect_vreg.gather [hbm4b:s5+s3], $0x80, v2, vm0, $0xb8;
	[tilespmem:$0x1C200] =	vst v63  }
0x92: {  	s20 =	simm.s32 $0x11200  }
0x93: {  	[tilespmem:s20], [sflag:$0x5] =	stream.indirect_vreg.gather [hbm4b:s6+s3], $0x80, v2, vm0, $0xb8;
	[tilespmem:$0x1C200] =	vst v63  }
0x94: {  	s21 =	simm.s32 $0x11A00  }
0x95: {  	[tilespmem:s21], [sflag:$0x5] =	stream.indirect_vreg.gather [hbm4b:s7+s3], $0x80, v2, vm0, $0xb8;
	[tilespmem:$0x1C200] =	vst v63  }
0x96: {  	s20 =	simm.s32 $0x12200  }
0x97: {  	[tilespmem:s20], [sflag:$0x5] =	stream.indirect_vreg.gather [hbm4b:s8+s3], $0x80, v2, vm0, $0xb8;
	[tilespmem:$0x1C200] =	vst v63  }
0x98: {  	s21 =	simm.s32 $0x12A00  }
0x99: {  	[tilespmem:s21], [sflag:$0x5] =	stream.indirect_vreg.gather [hbm4b:s9+s3], $0x80, v2, vm0, $0xb8;
	[tilespmem:$0x1C200] =	vst v63  }
0x9a: {  	s20 =	simm.s32 $0x13200  }
0x9b: {  	[tilespmem:s20], [sflag:$0x5] =	stream.indirect_vreg.gather [hbm4b:s10+s3], $0x80, v2, vm0, $0xb8;
	[tilespmem:$0x1C200] =	vst v63  }
0x9c: {  	s21 =	simm.s32 $0x13A00  }
0x9d: {  	[tilespmem:s21], [sflag:$0x5] =	stream.indirect_vreg.gather [hbm4b:s11+s3], $0x80, v2, vm0, $0xb8;
	[tilespmem:$0x1C200] =	vst v63  }
0x9e: {  	_ =	swait.ge [sflag:s18], $0x4000  }
0x9f: {  	s20 =	rddreg [dreg:$0x6]  }
0xa0: {  	[sflag:s18] =	ssyncset.done $0x0;
	s20 =	sadd.s32 s17, s20  }
0xa1: {  	s14 =	simm.s32 $0x4200;
	[sflag:s18] =	ssyncadd.s32 $0xFFFFC000;
	s21 =	sadd.s32 $0x800, s20  }
0xa2: {  	[hbm4b:s21+s3] =	stream.linear.scatter [tilespmem:s14], [sflag:$0x9], $0x4000, $0x38;
	[tilespmem:$0x1C200] =	vst v63  }
0xa3: {  	s21 =	simm.s32 @!p0 $0xD  }
0xa4: {  	_ =	swait.ge @!p0 [sflag:s21], $0x4000  }
0xa5: {  	[sflag:s21] =	ssyncset.done @!p0 $0x0  }
0xa6: {  	[sflag:s21] =	ssyncadd.s32 @!p0 $0xFFFFC000  }
0xa7: {  	v2 =	vld.msk [tilespmem:s30+$0xFFFFFFD8], $0xff;
	_ =	sdelay $0x4  }
0xa8: {  	v3 =	vshll.u32 v2, $0x4  }
0xa9: {  	v2 =	vand.u32 $0x7, v2;
	v3 =	vand.u32 $0xFFFFFF80, v3  }
0xaa: {  	v2 =	vor.u32 v2, v3  }
0xab: {  	v2 =	vperm.xlane v2, v0;
	_ =	sdelay $0x1  }
0xac: {  	v2 =	vadd.s32 v1, v2;
	_ =	sdelay $0x4  }
0xad: {  	[tilespmem:s19], [sflag:$0x6] =	stream.indirect_vreg.gather [hbm4b:s1+s3], $0x80, v2, vm0, $0xb8;
	[tilespmem:$0x1C200] =	vst v63  }
0xae: {  	s21 =	simm.s32 $0x14A00  }
0xaf: {  	[tilespmem:s21], [sflag:$0x6] =	stream.indirect_vreg.gather [hbm4b:s5+s3], $0x80, v2, vm0, $0xb8;
	[tilespmem:$0x1C200] =	vst v63  }
0xb0: {  	s21 =	simm.s32 $0x15200  }
0xb1: {  	[tilespmem:s21], [sflag:$0x6] =	stream.indirect_vreg.gather [hbm4b:s6+s3], $0x80, v2, vm0, $0xb8;
	[tilespmem:$0x1C200] =	vst v63  }
0xb2: {  	s21 =	simm.s32 $0x15A00  }
0xb3: {  	[tilespmem:s21], [sflag:$0x6] =	stream.indirect_vreg.gather [hbm4b:s7+s3], $0x80, v2, vm0, $0xb8;
	[tilespmem:$0x1C200] =	vst v63  }
0xb4: {  	s21 =	simm.s32 $0x16200  }
0xb5: {  	[tilespmem:s21], [sflag:$0x6] =	stream.indirect_vreg.gather [hbm4b:s8+s3], $0x80, v2, vm0, $0xb8;
	[tilespmem:$0x1C200] =	vst v63  }
0xb6: {  	s21 =	simm.s32 $0x16A00  }
0xb7: {  	[tilespmem:s21], [sflag:$0x6] =	stream.indirect_vreg.gather [hbm4b:s9+s3], $0x80, v2, vm0, $0xb8;
	[tilespmem:$0x1C200] =	vst v63  }
0xb8: {  	s21 =	simm.s32 $0x17200  }
0xb9: {  	[tilespmem:s21], [sflag:$0x6] =	stream.indirect_vreg.gather [hbm4b:s10+s3], $0x80, v2, vm0, $0xb8;
	[tilespmem:$0x1C200] =	vst v63  }
0xba: {  	s21 =	simm.s32 $0x17A00  }
0xbb: {  	[tilespmem:s21], [sflag:$0x6] =	stream.indirect_vreg.gather [hbm4b:s11+s3], $0x80, v2, vm0, $0xb8;
	[tilespmem:$0x1C200] =	vst v63  }
0xbc: {  	_ =	swait.ge [sflag:s0], $0x4000  }
0xbd: {  	[sflag:s0] =	ssyncset.done $0x0  }
0xbe: {  	s14 =	simm.s32 $0x8200;
	s21 =	sadd.s32 $0x1000, s20;
	[sflag:s0] =	ssyncadd.s32 $0xFFFFC000  }
0xbf: {  	[hbm4b:s21+s3] =	stream.linear.scatter [tilespmem:s14], [sflag:$0xA], $0x4000, $0x38;
	[tilespmem:$0x1C200] =	vst v63  }
0xc0: {  	s21 =	simm.s32 @!p0 $0xE  }
0xc1: {  	_ =	swait.ge @!p0 [sflag:s21], $0x4000  }
0xc2: {  	[sflag:s21] =	ssyncset.done @!p0 $0x0  }
0xc3: {  	[sflag:s21] =	ssyncadd.s32 @!p0 $0xFFFFC000  }
0xc4: {  	v2 =	vld.msk [tilespmem:s30+$0xFFFFFFE0], $0xff;
	_ =	sdelay $0x4  }
0xc5: {  	v3 =	vshll.u32 v2, $0x4  }
0xc6: {  	v2 =	vand.u32 $0x7, v2;
	v3 =	vand.u32 $0xFFFFFF80, v3  }
0xc7: {  	v2 =	vor.u32 v2, v3  }
0xc8: {  	v2 =	vperm.xlane v2, v0;
	_ =	sdelay $0x1  }
0xc9: {  	v2 =	vadd.s32 v1, v2;
	_ =	sdelay $0x4  }
0xca: {  	[tilespmem:s12], [sflag:$0x7] =	stream.indirect_vreg.gather [hbm4b:s1+s3], $0x80, v2, vm0, $0xb8;
	[tilespmem:$0x1C200] =	vst v63  }
0xcb: {  	s21 =	simm.s32 $0x18A00  }
0xcc: {  	[tilespmem:s21], [sflag:$0x7] =	stream.indirect_vreg.gather [hbm4b:s5+s3], $0x80, v2, vm0, $0xb8;
	[tilespmem:$0x1C200] =	vst v63  }
0xcd: {  	s21 =	simm.s32 $0x19200  }
0xce: {  	[tilespmem:s21], [sflag:$0x7] =	stream.indirect_vreg.gather [hbm4b:s6+s3], $0x80, v2, vm0, $0xb8;
	[tilespmem:$0x1C200] =	vst v63  }
0xcf: {  	s21 =	simm.s32 $0x19A00  }
0xd0: {  	[tilespmem:s21], [sflag:$0x7] =	stream.indirect_vreg.gather [hbm4b:s7+s3], $0x80, v2, vm0, $0xb8;
	[tilespmem:$0x1C200] =	vst v63  }
0xd1: {  	s21 =	simm.s32 $0x1A200  }
0xd2: {  	[tilespmem:s21], [sflag:$0x7] =	stream.indirect_vreg.gather [hbm4b:s8+s3], $0x80, v2, vm0, $0xb8;
	[tilespmem:$0x1C200] =	vst v63  }
0xd3: {  	s21 =	simm.s32 $0x1AA00  }
0xd4: {  	[tilespmem:s21], [sflag:$0x7] =	stream.indirect_vreg.gather [hbm4b:s9+s3], $0x80, v2, vm0, $0xb8;
	[tilespmem:$0x1C200] =	vst v63  }
0xd5: {  	s21 =	simm.s32 $0x1B200  }
0xd6: {  	[tilespmem:s21], [sflag:$0x7] =	stream.indirect_vreg.gather [hbm4b:s10+s3], $0x80, v2, vm0, $0xb8;
	[tilespmem:$0x1C200] =	vst v63  }
0xd7: {  	s21 =	simm.s32 $0x1BA00  }
0xd8: {  	[tilespmem:s21], [sflag:$0x7] =	stream.indirect_vreg.gather [hbm4b:s11+s3], $0x80, v2, vm0, $0xb8;
	[tilespmem:$0x1C200] =	vst v63  }
0xd9: {  	_ =	swait.ge [sflag:s22], $0x4000  }
0xda: {  	[sflag:s22] =	ssyncset.done $0x0  }
0xdb: {  	s14 =	simm.s32 $0xC200;
	s21 =	sadd.s32 $0x1800, s20;
	[sflag:s22] =	ssyncadd.s32 $0xFFFFC000  }
0xdc: {  	[hbm4b:s21+s3] =	stream.linear.scatter [tilespmem:s14], [sflag:$0xB], $0x4000, $0x38;
	[tilespmem:$0x1C200] =	vst v63  }
0xdd: {  	_ =	swait.ge [sflag:s31], $0x4000  }
0xde: {  	[sflag:s31] =	ssyncset.done $0x0  }
0xdf: {  	[sflag:s31] =	ssyncadd.s32 $0xFFFFC000  }
0xe0: {  	v2 =	vld.msk [tilespmem:s30+$0xFFFFFFE8], $0xff;
	_ =	sdelay $0x4  }
0xe1: {  	v3 =	vshll.u32 v2, $0x4  }
0xe2: {  	v2 =	vand.u32 $0x7, v2;
	v3 =	vand.u32 $0xFFFFFF80, v3  }
0xe3: {  	v2 =	vor.u32 v2, v3  }
0xe4: {  	v2 =	vperm.xlane v2, v0;
	_ =	sdelay $0x1  }
0xe5: {  	v2 =	vadd.s32 v1, v2;
	_ =	sdelay $0x4  }
0xe6: {  	[tilespmem:s16], [sflag:$0x1] =	stream.indirect_vreg.gather [hbm4b:s1+s3], $0x80, v2, vm0, $0xb8;
	[tilespmem:$0x1C200] =	vst v63  }
0xe7: {  	s21 =	simm.s32 $0xA00  }
0xe8: {  	[tilespmem:s21], [sflag:$0x1] =	stream.indirect_vreg.gather [hbm4b:s5+s3], $0x80, v2, vm0, $0xb8;
	[tilespmem:$0x1C200] =	vst v63  }
0xe9: {  	s21 =	simm.s32 $0x1200  }
0xea: {  	[tilespmem:s21], [sflag:$0x1] =	stream.indirect_vreg.gather [hbm4b:s6+s3], $0x80, v2, vm0, $0xb8;
	[tilespmem:$0x1C200] =	vst v63  }
0xeb: {  	s21 =	simm.s32 $0x1A00  }
0xec: {  	[tilespmem:s21], [sflag:$0x1] =	stream.indirect_vreg.gather [hbm4b:s7+s3], $0x80, v2, vm0, $0xb8;
	[tilespmem:$0x1C200] =	vst v63  }
0xed: {  	s21 =	simm.s32 $0x2200  }
0xee: {  	[tilespmem:s21], [sflag:$0x1] =	stream.indirect_vreg.gather [hbm4b:s8+s3], $0x80, v2, vm0, $0xb8;
	[tilespmem:$0x1C200] =	vst v63  }
0xef: {  	s21 =	simm.s32 $0x2A00  }
0xf0: {  	[tilespmem:s21], [sflag:$0x1] =	stream.indirect_vreg.gather [hbm4b:s9+s3], $0x80, v2, vm0, $0xb8;
	[tilespmem:$0x1C200] =	vst v63  }
0xf1: {  	s21 =	simm.s32 $0x3200  }
0xf2: {  	[tilespmem:s21], [sflag:$0x1] =	stream.indirect_vreg.gather [hbm4b:s10+s3], $0x80, v2, vm0, $0xb8;
	[tilespmem:$0x1C200] =	vst v63  }
0xf3: {  	s21 =	simm.s32 $0x3A00  }
0xf4: {  	[tilespmem:s21], [sflag:$0x1] =	stream.indirect_vreg.gather [hbm4b:s11+s3], $0x80, v2, vm0, $0xb8;
	[tilespmem:$0x1C200] =	vst v63  }
0xf5: {  	_ =	swait.ge [sflag:s23], $0x4000  }
0xf6: {  	[sflag:s23] =	ssyncset.done $0x0  }
0xf7: {  	s14 =	sadd.s32 $0x2000, s20;
	[sflag:s23] =	ssyncadd.s32 $0xFFFFC000  }
0xf8: {  	[hbm4b:s14+s3] =	stream.linear.scatter [tilespmem:s2], [sflag:$0xC], $0x4000, $0x38;
	[tilespmem:$0x1C200] =	vst v63  }
0xf9: {  	_ =	swait.ge [sflag:s24], $0x4000  }
0xfa: {  	[sflag:s24] =	ssyncset.done $0x0  }
0xfb: {  	p0 =	sgt.u32 s25, $0x7;
	[sflag:s24] =	ssyncadd.s32 $0xFFFFC000  }
0xfc: {  	v2 =	vld.msk @!p0 [tilespmem:s30+$0xFFFFFFF0], $0xff;
	_ =	sdelay $0x4  }
0xfd: {  	v3 =	vshll.u32 @!p0 v2, $0x4  }
0xfe: {  	v4 =	vlaneseq.u32 @!p0;
	v2 =	vand.u32 @!p0 $0x7, v2;
	v3 =	vand.u32 @!p0 $0xFFFFFF80, v3  }
0xff: {  	v2 =	vor.u32 @!p0 v2, v3;
	v3 =	vand.u32 @!p0 $0x7, v4;
	v4 =	vshrl.u32 @!p0 v4, $0x3  }
0x100: {  	v2 =	vperm.xlane @!p0 v2, v3;
	v4 =	vmul.u32 @!p0 $0x8, v4;
	_ =	sdelay $0x1  }
0x101: {  	v2 =	vadd.s32 @!p0 v4, v2;
	_ =	sdelay $0x3  }
0x102: {  	vm1 =	vmmov @!p0 $0xffff;
	s21 =	simm.s32 @!p0 $0x0;
	s14 =	simm.s32 @!p0 $0x4200  }
0x103: {  	[tilespmem:s14], [sflag:$0x2] =	stream.indirect_vreg.gather @!p0 [hbm4b:s1+s21], $0x80, v2, vm1, $0xb8;
	[tilespmem:$0x1C200] =	vst v63  }
0x104: {  	s14 =	simm.s32 @!p0 $0x4A00  }
0x105: {  	[tilespmem:s14], [sflag:$0x2] =	stream.indirect_vreg.gather @!p0 [hbm4b:s5+s21], $0x80, v2, vm1, $0xb8;
	[tilespmem:$0x1C200] =	vst v63  }
0x106: {  	s14 =	simm.s32 @!p0 $0x5200  }
0x107: {  	[tilespmem:s14], [sflag:$0x2] =	stream.indirect_vreg.gather @!p0 [hbm4b:s6+s21], $0x80, v2, vm1, $0xb8;
	[tilespmem:$0x1C200] =	vst v63  }
0x108: {  	s14 =	simm.s32 @!p0 $0x5A00  }
0x109: {  	[tilespmem:s14], [sflag:$0x2] =	stream.indirect_vreg.gather @!p0 [hbm4b:s7+s21], $0x80, v2, vm1, $0xb8;
	[tilespmem:$0x1C200] =	vst v63  }
0x10a: {  	s14 =	simm.s32 @!p0 $0x6200  }
0x10b: {  	[tilespmem:s14], [sflag:$0x2] =	stream.indirect_vreg.gather @!p0 [hbm4b:s8+s21], $0x80, v2, vm1, $0xb8;
	[tilespmem:$0x1C200] =	vst v63  }
0x10c: {  	s14 =	simm.s32 @!p0 $0x6A00  }
0x10d: {  	[tilespmem:s14], [sflag:$0x2] =	stream.indirect_vreg.gather @!p0 [hbm4b:s9+s21], $0x80, v2, vm1, $0xb8;
	[tilespmem:$0x1C200] =	vst v63  }
0x10e: {  	s14 =	simm.s32 @!p0 $0x7200  }
0x10f: {  	[tilespmem:s14], [sflag:$0x2] =	stream.indirect_vreg.gather @!p0 [hbm4b:s10+s21], $0x80, v2, vm1, $0xb8;
	[tilespmem:$0x1C200] =	vst v63  }
0x110: {  	s14 =	simm.s32 @!p0 $0x7A00  }
0x111: {  	[tilespmem:s14], [sflag:$0x2] =	stream.indirect_vreg.gather @!p0 [hbm4b:s11+s21], $0x80, v2, vm1, $0xb8;
	[tilespmem:$0x1C200] =	vst v63  }
0x112: {  	_ =	swait.ge [sflag:s26], $0x4000  }
0x113: {  	[sflag:s26] =	ssyncset.done $0x0  }
0x114: {  	s14 =	sadd.s32 $0x2800, s20;
	[sflag:s26] =	ssyncadd.s32 $0xFFFFC000  }
0x115: {  	[hbm4b:s14+s3] =	stream.linear.scatter [tilespmem:s19], [sflag:$0xD], $0x4000, $0x38;
	[tilespmem:$0x1C200] =	vst v63  }
0x116: {  	_ =	swait.ge [sflag:s4], $0x4000  }
0x117: {  	[sflag:s4] =	ssyncset.done $0x0  }
0x118: {  	[sflag:s4] =	ssyncadd.s32 $0xFFFFC000  }
0x119: {  	v2 =	vld.msk @!p0 [tilespmem:s30+$0xFFFFFFF8], $0xff;
	_ =	sdelay $0x4  }
0x11a: {  	v5 =	vshll.u32 @!p0 v2, $0x4  }
0x11b: {  	v2 =	vand.u32 @!p0 $0x7, v2;
	v5 =	vand.u32 @!p0 $0xFFFFFF80, v5  }
0x11c: {  	v2 =	vor.u32 @!p0 v2, v5  }
0x11d: {  	v2 =	vperm.xlane @!p0 v2, v3;
	_ =	sdelay $0x1  }
0x11e: {  	v2 =	vadd.s32 @!p0 v4, v2;
	_ =	sdelay $0x3  }
0x11f: {  	s14 =	simm.s32 @!p0 $0x8200  }
0x120: {  	[tilespmem:s14], [sflag:$0x3] =	stream.indirect_vreg.gather @!p0 [hbm4b:s1+s21], $0x80, v2, vm1, $0xb8;
	[tilespmem:$0x1C200] =	vst v63  }
0x121: {  	s14 =	simm.s32 @!p0 $0x8A00  }
0x122: {  	[tilespmem:s14], [sflag:$0x3] =	stream.indirect_vreg.gather @!p0 [hbm4b:s5+s21], $0x80, v2, vm1, $0xb8;
	[tilespmem:$0x1C200] =	vst v63  }
0x123: {  	s14 =	simm.s32 @!p0 $0x9200  }
0x124: {  	[tilespmem:s14], [sflag:$0x3] =	stream.indirect_vreg.gather @!p0 [hbm4b:s6+s21], $0x80, v2, vm1, $0xb8;
	[tilespmem:$0x1C200] =	vst v63  }
0x125: {  	s14 =	simm.s32 @!p0 $0x9A00  }
0x126: {  	[tilespmem:s14], [sflag:$0x3] =	stream.indirect_vreg.gather @!p0 [hbm4b:s7+s21], $0x80, v2, vm1, $0xb8;
	[tilespmem:$0x1C200] =	vst v63  }
0x127: {  	s14 =	simm.s32 @!p0 $0xA200  }
0x128: {  	[tilespmem:s14], [sflag:$0x3] =	stream.indirect_vreg.gather @!p0 [hbm4b:s8+s21], $0x80, v2, vm1, $0xb8;
	[tilespmem:$0x1C200] =	vst v63  }
0x129: {  	s14 =	simm.s32 @!p0 $0xAA00  }
0x12a: {  	[tilespmem:s14], [sflag:$0x3] =	stream.indirect_vreg.gather @!p0 [hbm4b:s9+s21], $0x80, v2, vm1, $0xb8;
	[tilespmem:$0x1C200] =	vst v63  }
0x12b: {  	s14 =	simm.s32 @!p0 $0xB200  }
0x12c: {  	[tilespmem:s14], [sflag:$0x3] =	stream.indirect_vreg.gather @!p0 [hbm4b:s10+s21], $0x80, v2, vm1, $0xb8;
	[tilespmem:$0x1C200] =	vst v63  }
0x12d: {  	s14 =	simm.s32 @!p0 $0xBA00  }
0x12e: {  	[tilespmem:s14], [sflag:$0x3] =	stream.indirect_vreg.gather @!p0 [hbm4b:s11+s21], $0x80, v2, vm1, $0xb8;
	[tilespmem:$0x1C200] =	vst v63  }
0x12f: {  	_ =	swait.ge [sflag:s15], $0x4000  }
0x130: {  	[sflag:s15] =	ssyncset.done $0x0  }
0x131: {  	s20 =	sadd.s32 $0x3000, s20;
	[sflag:s15] =	ssyncadd.s32 $0xFFFFC000  }
0x132: {  	[hbm4b:s20+s3] =	stream.linear.scatter [tilespmem:s12], [sflag:$0xE], $0x4000, $0x38;
	[tilespmem:$0x1C200] =	vst v63  }
0x133: {  	_ =	swait.ge [sflag:s29], $0x4000  }
0x134: {  	[sflag:s29] =	ssyncset.done $0x0  }
0x135: {  	[sflag:s29] =	ssyncadd.s32 $0xFFFFC000  }
0x136: {  	v2 =	vld.msk @!p0 [tilespmem:s30+$0x0], $0xff;
	_ =	sdelay $0x4  }
0x137: {  	v5 =	vshll.u32 @!p0 v2, $0x4  }
0x138: {  	v2 =	vand.u32 @!p0 $0x7, v2;
	v5 =	vand.u32 @!p0 $0xFFFFFF80, v5  }
0x139: {  	v2 =	vor.u32 @!p0 v2, v5  }
0x13a: {  	v2 =	vperm.xlane @!p0 v2, v3;
	_ =	sdelay $0x1  }
0x13b: {  	v2 =	vadd.s32 @!p0 v4, v2;
	_ =	sdelay $0x3  }
0x13c: {  	s14 =	simm.s32 @!p0 $0xC200  }
0x13d: {  	[tilespmem:s14], [sflag:$0x4] =	stream.indirect_vreg.gather @!p0 [hbm4b:s1+s21], $0x80, v2, vm1, $0xb8;
	[tilespmem:$0x1C200] =	vst v63  }
0x13e: {  	s14 =	simm.s32 @!p0 $0xCA00  }
0x13f: {  	[tilespmem:s14], [sflag:$0x4] =	stream.indirect_vreg.gather @!p0 [hbm4b:s5+s21], $0x80, v2, vm1, $0xb8;
	[tilespmem:$0x1C200] =	vst v63  }
0x140: {  	s14 =	simm.s32 @!p0 $0xD200  }
0x141: {  	[tilespmem:s14], [sflag:$0x4] =	stream.indirect_vreg.gather @!p0 [hbm4b:s6+s21], $0x80, v2, vm1, $0xb8;
	[tilespmem:$0x1C200] =	vst v63  }
0x142: {  	s14 =	simm.s32 @!p0 $0xDA00  }
0x143: {  	[tilespmem:s14], [sflag:$0x4] =	stream.indirect_vreg.gather @!p0 [hbm4b:s7+s21], $0x80, v2, vm1, $0xb8;
	[tilespmem:$0x1C200] =	vst v63  }
0x144: {  	s14 =	simm.s32 @!p0 $0xE200  }
0x145: {  	[tilespmem:s14], [sflag:$0x4] =	stream.indirect_vreg.gather @!p0 [hbm4b:s8+s21], $0x80, v2, vm1, $0xb8;
	[tilespmem:$0x1C200] =	vst v63  }
0x146: {  	s14 =	simm.s32 @!p0 $0xEA00  }
0x147: {  	[tilespmem:s14], [sflag:$0x4] =	stream.indirect_vreg.gather @!p0 [hbm4b:s9+s21], $0x80, v2, vm1, $0xb8;
	[tilespmem:$0x1C200] =	vst v63  }
0x148: {  	s14 =	simm.s32 @!p0 $0xF200  }
0x149: {  	[tilespmem:s14], [sflag:$0x4] =	stream.indirect_vreg.gather @!p0 [hbm4b:s10+s21], $0x80, v2, vm1, $0xb8;
	[tilespmem:$0x1C200] =	vst v63  }
0x14a: {  	s17 =	sadd.s32 $0x3800, s17;
	s14 =	simm.s32 @!p0 $0xFA00  }
0x14b: {  	[tilespmem:s14], [sflag:$0x4] =	stream.indirect_vreg.gather @!p0 [hbm4b:s11+s21], $0x80, v2, vm1, $0xb8;
	[tilespmem:$0x1C200] =	vst v63  }
0x14c: {  	p0 =	sne.s32 s17, $0x23000  }
.Ltmp3:
0x14d: {  	_ = 	snop;
	(pc) =	sbr.rel @p0 .LBB2_2-.Ltmp3, $4  }
.Ltmp4:
0x14e: {  	_ = 	snop;
	(pc) =	sbr.rel @!p0 .LBB2_4-.Ltmp4, $4  }
0x14f: {  	_ = 	snop  }
0x150: {  	_ = 	snop  }
0x151: {  	s25 =	sadd.s32 $0x1, s25;
	s30 =	sadd.s32 $0x38, s30  }
0x152: {  	_ = 	snop  }
.LBB2_5:
0x153: {  	_ =	sfence.sel $0x180000  }
0x154: {  	[bflag:$0x0] =	sbarrier.arrive $0xFFFF  }
0x155: {  	_ =	strace $0x90000047  }
0x156: {  	s0 =	stileid.u32;
	[bflag:$0x2] =	sbarrier.arrive $0xFFFF  }
0x157: {  	p0 =	sne.s32 s0, $0x0;
	s0 =	rddreg [dreg:$0x3]  }
0x158: {  	s0 =	sadd.s32 @!p0 $0x100000, s0  }
0x159: {  	[sflag:s0] =	ssyncadd.tile.s32 @!p0 $0x1;
	_ =	shalt  }
.Lfunc_end2:
_tile_overlayer_lowered:
.L_overlay_start_2:
0x15a: {  	(tag) =	ssettag $0x2  }
0x15b: {  	s0 =	rddreg [dreg:$0x0];
	s2 =	stileid.u32  }
0x15c: {  	s1 =	rddreg [dreg:$0x1];
	p0 =	sne.s32 s2, $0x0  }
0x15d: {  	s3 =	rddreg [dreg:$0x2];
	[bflag:$0x3] =	sbarrier.arrive $0xFFFF;
	s2 =	simm.s32 @!p0 $0x1C0F  }
0x15e: {  	[timem:s3], [sflag:s2] =	dma.local @!p0 [hbm:s0], s1  }
0x15f: {  	s0 =	simm.s32 @!p0 $0xF  }
0x160: {  	_ =	swait.ge @!p0 [sflag:s0], s1  }
0x161: {  	s1 =	ssub.s32 @!p0 $0x0, s1;
	[sflag:s0] =	ssyncset.done @!p0 $0x0  }
0x162: {  	[sflag:s0] =	ssyncadd.s32 @!p0 s1  }
0x163: {  	[bflag:$0x3] =	sbarrier.arrive $0xFFFF  }
0x164: {  	_ =	shalt  }

</sc_bundles>
